<compile_context>
chip_gen: v7x
topology: tpu7x:2x2x1
jax: 0.10.2.dev20260603
libtpu: 0.0.44.dev20260713+nightly
codegen_flags: <defaults>
</compile_context>

<pallas_src>
import functools

import jax
import jax.numpy as jnp
from jax import lax
from jax.experimental import pallas as pl
from jax.experimental.pallas import tpu as pltpu
from jax.experimental.pallas import tpu_sc as plsc



def _routing_body(x_ref, wr_ref, br_ref, pos_ref, cnt_ref, *, sb):
    S = x_ref.shape[0]
    E = wr_ref.shape[0]
    logits = jax.lax.dot_general(
        wr_ref[...], x_ref[...],
        dimension_numbers=(((1,), (1,)), ((), ())),
        preferred_element_type=jnp.float32,
        precision=jax.lax.Precision.DEFAULT,
    )
    logits = logits + br_ref[...]
    row = jax.lax.broadcasted_iota(jnp.int32, (E, S), 0)
    maxv = jnp.max(logits, axis=0, keepdims=True)
    cand = jnp.where(logits >= maxv, row, E)
    eid = jnp.min(cand, axis=0, keepdims=True)
    onehot = (row == eid).astype(jnp.float32)

    cnt = jnp.sum(onehot, axis=1, keepdims=True)

    e0 = jax.lax.broadcasted_iota(jnp.int32, (E, E), 0)
    e1 = jax.lax.broadcasted_iota(jnp.int32, (E, E), 1)
    strict_lt = (e1 < e0).astype(jnp.float32)
    start = jax.lax.dot_general(strict_lt, cnt,
                                dimension_numbers=(((1,), (0,)), ((), ())),
                                preferred_element_type=jnp.float32,
                                precision=jax.lax.Precision.HIGHEST)

    t0 = jax.lax.broadcasted_iota(jnp.int32, (sb, sb), 0)
    t1 = jax.lax.broadcasted_iota(jnp.int32, (sb, sb), 1)
    triu = (t0 <= t1).astype(jnp.float32)
    nblk = S // sb

    base = jnp.zeros((E, 1), jnp.float32)
    for i in range(nblk):
        oh = onehot[:, i * sb:(i + 1) * sb]
        rank_incl = jax.lax.dot_general(
            oh, triu, dimension_numbers=(((1,), (0,)), ((), ())),
            preferred_element_type=jnp.float32)
        val = start + base + rank_incl - 1.0
        posb = jnp.sum(oh * val, axis=0, keepdims=True)
        pos_ref[:, i * sb:(i + 1) * sb] = posb.astype(jnp.int32)
        base = base + jnp.sum(oh, axis=1, keepdims=True)
    cnt_ref[...] = cnt.astype(jnp.int32)


def _route(xf, Wr, br2, *, sb=256):
    S = xf.shape[0]
    E = Wr.shape[0]
    return pl.pallas_call(
        functools.partial(_routing_body, sb=sb),
        out_shape=(jax.ShapeDtypeStruct((1, S), jnp.int32),
                   jax.ShapeDtypeStruct((E, 1), jnp.int32)),
    )(xf, Wr, br2)



def _sc_permute(src, pos, *, invert):
    S, D = src.shape
    num_cores, num_subcores = 2, 16
    nw = num_cores * num_subcores
    rpw = S // nw
    mesh = plsc.VectorSubcoreMesh(core_axis_name="c", subcore_axis_name="s")

    @functools.partial(
        pl.kernel, mesh=mesh,
        out_type=jax.ShapeDtypeStruct((S, D), jnp.float32),
        scratch_types=[
            pltpu.VMEM((rpw,), jnp.int32),
            pltpu.VMEM((rpw, D), jnp.float32),
            pltpu.SemaphoreType.DMA,
        ],
    )
    def k(src_hbm, pos_hbm, out_hbm, idx_v, rows_v, sem):
        wid = lax.axis_index("s") * num_cores + lax.axis_index("c")
        base = wid * rpw
        pltpu.sync_copy(pos_hbm.at[pl.ds(base, rpw)], idx_v)
        if invert:
            pltpu.async_copy(src_hbm.at[idx_v], rows_v, sem).wait()
            pltpu.sync_copy(rows_v, out_hbm.at[pl.ds(base, rpw)])
        else:
            pltpu.sync_copy(src_hbm.at[pl.ds(base, rpw)], rows_v)
            pltpu.async_copy(rows_v, out_hbm.at[idx_v], sem).wait()

    return k(src, pos)



def _moe_body(b_ref, e_ref, lo_ref, hi_ref,
              xs_ref, wg_ref, wu_ref, wd_ref, out_ref, *, bt):
    h = pl.program_id(0)
    w = pl.program_id(1)

    @pl.when((h == 0) & (w == 0))
    def _init():
        out_ref[...] = jnp.zeros_like(out_ref)

    b = b_ref[w]
    lo = lo_ref[w]
    hi = hi_ref[w]

    @pl.when(hi > lo)
    def _compute():
        xb = xs_ref[pl.ds(b * bt, bt), :]
        wg = wg_ref[0]
        wu = wu_ref[0]
        wd = wd_ref[0]
        dn = (((1,), (1,)), ((), ()))
        gate = jax.lax.dot_general(xb, wg, dn,
                                   preferred_element_type=jnp.float32,
                                   precision=jax.lax.Precision.DEFAULT)
        up = jax.lax.dot_general(xb, wu, dn,
                                 preferred_element_type=jnp.float32,
                                 precision=jax.lax.Precision.DEFAULT)
        act = gate * jax.nn.sigmoid(gate) * up
        contrib = jax.lax.dot_general(act, wd, dn,
                                      preferred_element_type=jnp.float32,
                                      precision=jax.lax.Precision.DEFAULT)
        iota = jax.lax.broadcasted_iota(jnp.int32, (bt, 1), 0)
        mask = ((iota >= lo) & (iota < hi)).astype(contrib.dtype)
        out_ref[pl.ds(b * bt, bt), :] += contrib * mask


def _grouped_swiglu(xs, Wgate, Wup, Wdown, b_ids, e_ids, lo, hi, *, bt, bh):
    S, D = xs.shape
    E, H, _ = Wgate.shape
    nh = H // bh
    nw = b_ids.shape[0]

    grid_spec = pltpu.PrefetchScalarGridSpec(
        num_scalar_prefetch=4,
        grid=(nh, nw),
        in_specs=[
            pl.BlockSpec((S, D), lambda h, w, b, e, l, u: (0, 0)),
            pl.BlockSpec((1, bh, D), lambda h, w, b, e, l, u: (e[w], h, 0)),
            pl.BlockSpec((1, bh, D), lambda h, w, b, e, l, u: (e[w], h, 0)),
            pl.BlockSpec((1, D, bh), lambda h, w, b, e, l, u: (e[w], 0, h)),
        ],
        out_specs=pl.BlockSpec((S, D), lambda h, w, b, e, l, u: (0, 0)),
    )
    return pl.pallas_call(
        functools.partial(_moe_body, bt=bt),
        grid_spec=grid_spec,
        out_shape=jax.ShapeDtypeStruct((S, D), jnp.float32),
        compiler_params=pltpu.CompilerParams(
            dimension_semantics=("arbitrary", "arbitrary"),
        ),
    )(b_ids, e_ids, lo, hi, xs, Wgate, Wup, Wdown)



def kernel(x, Wr, br, Wgate, Wup, Wdown):
    Bsz, S, D = x.shape
    E, H, _ = Wgate.shape
    BT = 256
    BH = 1024
    NB = S // BT
    NW = NB + E - 1

    xf = x.reshape(S, D)
    pos2, cnt2 = _route(xf, Wr, br.reshape(E, 1))
    pos = pos2.reshape(S)
    counts = cnt2.reshape(E)

    offs_end = jnp.cumsum(counts).astype(jnp.int32)

    blk = jnp.arange(NB, dtype=jnp.int32)
    e_first = jnp.searchsorted(offs_end, blk * BT, side='right').astype(jnp.int32)
    e_last = jnp.searchsorted(offs_end, blk * BT + (BT - 1),
                              side='right').astype(jnp.int32)
    k = e_last - e_first + 1
    item_end = jnp.cumsum(k).astype(jnp.int32)
    total = item_end[-1]

    w = jnp.arange(NW, dtype=jnp.int32)
    b_ids = jnp.minimum(jnp.searchsorted(item_end, w, side='right'),
                        NB - 1).astype(jnp.int32)
    item_start = item_end[b_ids] - k[b_ids]
    e_ids = jnp.minimum(e_first[b_ids] + (w - item_start),
                        E - 1).astype(jnp.int32)
    valid = w < total

    row_s = offs_end[e_ids] - counts[e_ids]
    row_e = offs_end[e_ids]
    lo = jnp.clip(row_s - b_ids * BT, 0, BT).astype(jnp.int32)
    hi = jnp.clip(row_e - b_ids * BT, 0, BT).astype(jnp.int32)
    hi = jnp.where(valid, hi, lo)

    xs = _sc_permute(xf, pos, invert=False)
    outs = _grouped_swiglu(xs, Wgate, Wup, Wdown, b_ids, e_ids, lo, hi,
                           bt=BT, bh=BH)
    out = _sc_permute(outs, pos, invert=True)
    return out.reshape(Bsz, S, D)

# --- scband reference (transcript-rebuilt; emitter-appended) ---
"""Pipeline reference for scband-moe-block-68650757260119 (READ-ONLY COPY).

The authoritative reference and input builder live on the scoring server;
editing this copy changes nothing except your own understanding.
"""

import jax, jax.numpy as jnp
import numpy as np

B, S, D = 1, 2048, 1024
H = 4096
E = 8
TOPK = 1


def setup_inputs(seed: int = 0) -> dict:
    key = jax.random.key(seed)
    ks = jax.random.split(key, 6)
    x = jax.random.normal(ks[0], (B, S, D), dtype=jnp.float32)
    Wr = jax.random.normal(ks[1], (E, D), dtype=jnp.float32) * (1.0 / np.sqrt(D))
    br = jnp.zeros((E,), dtype=jnp.float32)
    Wgate = jax.random.normal(ks[2], (E, H, D), dtype=jnp.float32) * (1.0 / np.sqrt(D))
    Wup = jax.random.normal(ks[3], (E, H, D), dtype=jnp.float32) * (1.0 / np.sqrt(D))
    Wdown = jax.random.normal(ks[4], (E, D, H), dtype=jnp.float32) * (1.0 / np.sqrt(H))
    return {"x": x, "Wr": Wr, "br": br, "Wgate": Wgate, "Wup": Wup, "Wdown": Wdown}


def reference(x, Wr, br, Wgate, Wup, Wdown):
    Bsz, Slen, Dm = x.shape
    xf = x.reshape(-1, Dm)
    # GatingFunction: linear -> topk -> scatter into -inf mask -> softmax
    logits = xf @ Wr.T + br
    values, indices = jax.lax.top_k(logits, TOPK)
    mask = jnp.full_like(logits, -jnp.inf)
    rows = jnp.arange(logits.shape[0])[:, None]
    mask = mask.at[rows, indices].set(values)
    weights = jax.nn.softmax(mask, axis=-1)
    # Expert loop: SwiGLU per expert, combined with gate weights.
    # Non-selected experts get softmax weight exactly 0 (exp(-inf)),
    # so masked dense combine is mathematically identical to the torch
    # boolean-gather version.
    out = jnp.zeros_like(xf)
    for e in range(E):
        sel = (indices == e).any(axis=-1)
        gate = xf @ Wgate[e].T
        up = xf @ Wup[e].T
        h = gate * jax.nn.sigmoid(gate) * up
        oe = h @ Wdown[e].T
        w_e = weights[:, e] * sel.astype(xf.dtype)
        out = out + oe * w_e[:, None]
    return out.reshape(Bsz, Slen, Dm)

if __name__ == "__main__":
    import jax
    _d = setup_inputs()
    print(jax.jit(kernel)(*tuple(_d.values())))

</pallas_src>

<mosaic_0001>
#map = affine_map<(d0, d1) -> (0, 0)>
#map1 = affine_map<(d0, d1) -> (0)>
module attributes {stable_mosaic.version = 14 : i64} {
  func.func @k(%arg0: i32, %arg1: i32, %arg2: memref<2048x1024xf32, #tpu.memory_space<hbm>>, %arg3: memref<2048xi32, #tpu.memory_space<hbm>>, %arg4: memref<2048x1024xf32, #tpu.memory_space<hbm>>, %arg5: memref<64xi32, #tpu.memory_space<vmem>>, %arg6: memref<64x1024xf32, #tpu.memory_space<vmem>>, %arg7: memref<!tpu.dma_semaphore, #tpu.memory_space<semaphore_mem>>) attributes {dimension_semantics = [#tpu.dimension_semantics<core_parallel>, #tpu.dimension_semantics<subcore_parallel>], iteration_bounds = array<i64: 2, 16>, scalar_prefetch = 0 : i64, scratch_operands = 3 : i64, tpu.core_type = #tpu.core_type<sc_vector_subcore>, window_params = [{transform_indices = #map}, {transform_indices = #map1}, {transform_indices = #map}]} {
    %mul3A = arith.constant 2 : i32
    %mul3A_0 = arith.muli %arg1, %mul3A : i32
    %add3A = arith.addi %mul3A_0, %arg0 : i32
    %mul3A_1 = arith.constant 64 : i32
    %mul3A_2 = arith.muli %add3A, %mul3A_1 : i32
    "tpu.region"() ({
      %run_scoped3A = tpu.sem_alloc : memref<!tpu.dma_semaphore, #tpu.memory_space<semaphore_mem>>
      %dma_start3A_7 = tpu.memref_slice %arg3[%mul3A_2] : memref<2048xi32, #tpu.memory_space<hbm>> -> memref<64xi32, #tpu.memory_space<hbm>>
      %dma_start3A_8 = tpu.memref_slice %arg3[%mul3A_2] : memref<2048xi32, #tpu.memory_space<hbm>> -> memref<64xi32, #tpu.memory_space<hbm>>
      tpu.enqueue_dma source(%dma_start3A_8 : memref<64xi32, #tpu.memory_space<hbm>>) target(%arg5 : memref<64xi32, #tpu.memory_space<vmem>>) target_semaphore(%run_scoped3A : memref<!tpu.dma_semaphore, #tpu.memory_space<semaphore_mem>>)
      %dma_wait3A_9 = tpu.memref_slice %arg3[%mul3A_2] : memref<2048xi32, #tpu.memory_space<hbm>> -> memref<64xi32, #tpu.memory_space<hbm>>
      %dma_wait3A_10 = tpu.memref_slice %arg3[%mul3A_2] : memref<2048xi32, #tpu.memory_space<hbm>> -> memref<64xi32, #tpu.memory_space<hbm>>
      tpu.wait_dma2 semaphore(%run_scoped3A : memref<!tpu.dma_semaphore, #tpu.memory_space<semaphore_mem>>) src(%dma_wait3A_10 : memref<64xi32, #tpu.memory_space<hbm>>) dst(%arg5 : memref<64xi32, #tpu.memory_space<vmem>>)
      tpu.yield
    }) : () -> ()
    "tpu.region"() ({
      %run_scoped3A = tpu.sem_alloc : memref<!tpu.dma_semaphore, #tpu.memory_space<semaphore_mem>>
      %dma_start3A_7 = arith.constant 0 : i32
      %dma_start3A_8 = tpu.memref_slice %arg2[%mul3A_2, %dma_start3A_7] : memref<2048x1024xf32, #tpu.memory_space<hbm>> -> memref<64x1024xf32, #tpu.memory_space<hbm>>
      %dma_start3A_9 = arith.constant 0 : i32
      %dma_start3A_10 = tpu.memref_slice %arg2[%mul3A_2, %dma_start3A_9] : memref<2048x1024xf32, #tpu.memory_space<hbm>> -> memref<64x1024xf32, #tpu.memory_space<hbm>>
      tpu.enqueue_dma source(%dma_start3A_10 : memref<64x1024xf32, #tpu.memory_space<hbm>>) target(%arg6 : memref<64x1024xf32, #tpu.memory_space<vmem>>) target_semaphore(%run_scoped3A : memref<!tpu.dma_semaphore, #tpu.memory_space<semaphore_mem>>)
      %dma_wait3A_11 = arith.constant 0 : i32
      %dma_wait3A_12 = tpu.memref_slice %arg2[%mul3A_2, %dma_wait3A_11] : memref<2048x1024xf32, #tpu.memory_space<hbm>> -> memref<64x1024xf32, #tpu.memory_space<hbm>>
      %dma_wait3A_13 = arith.constant 0 : i32
      %dma_wait3A_14 = tpu.memref_slice %arg2[%mul3A_2, %dma_wait3A_13] : memref<2048x1024xf32, #tpu.memory_space<hbm>> -> memref<64x1024xf32, #tpu.memory_space<hbm>>
      tpu.wait_dma2 semaphore(%run_scoped3A : memref<!tpu.dma_semaphore, #tpu.memory_space<semaphore_mem>>) src(%dma_wait3A_14 : memref<64x1024xf32, #tpu.memory_space<hbm>>) dst(%arg6 : memref<64x1024xf32, #tpu.memory_space<vmem>>)
      tpu.yield
    }) : () -> ()
    %dma_start3A = arith.constant 0 : i32
    %dma_start3A_3 = arith.constant 0 : i32
    %dma_start3A_4 = tpu.memref_slice %arg4[%dma_start3A, %dma_start3A_3] : memref<2048x1024xf32, #tpu.memory_space<hbm>> -> memref<2048x1024xf32, #tpu.memory_space<hbm>>
    tpu.enqueue_indirect_dma source(%arg6 : memref<64x1024xf32, #tpu.memory_space<vmem>>) target(%dma_start3A_4 : memref<2048x1024xf32, #tpu.memory_space<hbm>>) offsets(%arg5 : memref<64xi32, #tpu.memory_space<vmem>>) semaphore(%arg7 : memref<!tpu.dma_semaphore, #tpu.memory_space<semaphore_mem>>)
    %dma_wait3A = arith.constant 0 : i32
    %dma_wait3A_5 = arith.constant 0 : i32
    %dma_wait3A_6 = tpu.memref_slice %arg4[%dma_wait3A, %dma_wait3A_5] : memref<2048x1024xf32, #tpu.memory_space<hbm>> -> memref<2048x1024xf32, #tpu.memory_space<hbm>>
    tpu.wait_indirect_dma semaphore(%arg7 : memref<!tpu.dma_semaphore, #tpu.memory_space<semaphore_mem>>) src(%arg6 : memref<64x1024xf32, #tpu.memory_space<vmem>>) dst(%dma_wait3A_6 : memref<2048x1024xf32, #tpu.memory_space<hbm>>)
    return
  }
}

#map = affine_map<(d0, d1) -> (0, 0)>
#map1 = affine_map<(d0, d1) -> (0)>
module attributes {stable_mosaic.version = 14 : i64} {
  func.func @k(%arg0: i32, %arg1: i32, %arg2: memref<2048x1024xf32, #tpu.memory_space<hbm>>, %arg3: memref<2048xi32, #tpu.memory_space<hbm>>, %arg4: memref<2048x1024xf32, #tpu.memory_space<hbm>>, %arg5: memref<64xi32, #tpu.memory_space<vmem>>, %arg6: memref<64x1024xf32, #tpu.memory_space<vmem>>, %arg7: memref<!tpu.dma_semaphore, #tpu.memory_space<semaphore_mem>>) attributes {dimension_semantics = [#tpu.dimension_semantics<core_parallel>, #tpu.dimension_semantics<subcore_parallel>], iteration_bounds = array<i64: 2, 16>, scalar_prefetch = 0 : i64, scratch_operands = 3 : i64, tpu.core_type = #tpu.core_type<sc_vector_subcore>, window_params = [{transform_indices = #map}, {transform_indices = #map1}, {transform_indices = #map}]} {
    %mul3A = arith.constant 2 : i32
    %mul3A_0 = arith.muli %arg1, %mul3A : i32
    %add3A = arith.addi %mul3A_0, %arg0 : i32
    %mul3A_1 = arith.constant 64 : i32
    %mul3A_2 = arith.muli %add3A, %mul3A_1 : i32
    "tpu.region"() ({
      %run_scoped3A = tpu.sem_alloc : memref<!tpu.dma_semaphore, #tpu.memory_space<semaphore_mem>>
      %dma_start3A_7 = tpu.memref_slice %arg3[%mul3A_2] : memref<2048xi32, #tpu.memory_space<hbm>> -> memref<64xi32, #tpu.memory_space<hbm>>
      %dma_start3A_8 = tpu.memref_slice %arg3[%mul3A_2] : memref<2048xi32, #tpu.memory_space<hbm>> -> memref<64xi32, #tpu.memory_space<hbm>>
      tpu.enqueue_dma source(%dma_start3A_8 : memref<64xi32, #tpu.memory_space<hbm>>) target(%arg5 : memref<64xi32, #tpu.memory_space<vmem>>) target_semaphore(%run_scoped3A : memref<!tpu.dma_semaphore, #tpu.memory_space<semaphore_mem>>)
      %dma_wait3A_9 = tpu.memref_slice %arg3[%mul3A_2] : memref<2048xi32, #tpu.memory_space<hbm>> -> memref<64xi32, #tpu.memory_space<hbm>>
      %dma_wait3A_10 = tpu.memref_slice %arg3[%mul3A_2] : memref<2048xi32, #tpu.memory_space<hbm>> -> memref<64xi32, #tpu.memory_space<hbm>>
      tpu.wait_dma2 semaphore(%run_scoped3A : memref<!tpu.dma_semaphore, #tpu.memory_space<semaphore_mem>>) src(%dma_wait3A_10 : memref<64xi32, #tpu.memory_space<hbm>>) dst(%arg5 : memref<64xi32, #tpu.memory_space<vmem>>)
      tpu.yield
    }) : () -> ()
    %dma_start3A = arith.constant 0 : i32
    %dma_start3A_3 = arith.constant 0 : i32
    %dma_start3A_4 = tpu.memref_slice %arg2[%dma_start3A, %dma_start3A_3] : memref<2048x1024xf32, #tpu.memory_space<hbm>> -> memref<2048x1024xf32, #tpu.memory_space<hbm>>
    tpu.enqueue_indirect_dma source(%dma_start3A_4 : memref<2048x1024xf32, #tpu.memory_space<hbm>>) target(%arg6 : memref<64x1024xf32, #tpu.memory_space<vmem>>) offsets(%arg5 : memref<64xi32, #tpu.memory_space<vmem>>) semaphore(%arg7 : memref<!tpu.dma_semaphore, #tpu.memory_space<semaphore_mem>>)
    %dma_wait3A = arith.constant 0 : i32
    %dma_wait3A_5 = arith.constant 0 : i32
    %dma_wait3A_6 = tpu.memref_slice %arg2[%dma_wait3A, %dma_wait3A_5] : memref<2048x1024xf32, #tpu.memory_space<hbm>> -> memref<2048x1024xf32, #tpu.memory_space<hbm>>
    tpu.wait_indirect_dma semaphore(%arg7 : memref<!tpu.dma_semaphore, #tpu.memory_space<semaphore_mem>>) src(%dma_wait3A_6 : memref<2048x1024xf32, #tpu.memory_space<hbm>>) dst(%arg6 : memref<64x1024xf32, #tpu.memory_space<vmem>>)
    "tpu.region"() ({
      %run_scoped3A = tpu.sem_alloc : memref<!tpu.dma_semaphore, #tpu.memory_space<semaphore_mem>>
      %dma_start3A_7 = arith.constant 0 : i32
      %dma_start3A_8 = tpu.memref_slice %arg4[%mul3A_2, %dma_start3A_7] : memref<2048x1024xf32, #tpu.memory_space<hbm>> -> memref<64x1024xf32, #tpu.memory_space<hbm>>
      %dma_start3A_9 = arith.constant 0 : i32
      %dma_start3A_10 = tpu.memref_slice %arg4[%mul3A_2, %dma_start3A_9] : memref<2048x1024xf32, #tpu.memory_space<hbm>> -> memref<64x1024xf32, #tpu.memory_space<hbm>>
      tpu.enqueue_dma source(%arg6 : memref<64x1024xf32, #tpu.memory_space<vmem>>) target(%dma_start3A_10 : memref<64x1024xf32, #tpu.memory_space<hbm>>) target_semaphore(%run_scoped3A : memref<!tpu.dma_semaphore, #tpu.memory_space<semaphore_mem>>)
      %dma_wait3A_11 = arith.constant 0 : i32
      %dma_wait3A_12 = tpu.memref_slice %arg4[%mul3A_2, %dma_wait3A_11] : memref<2048x1024xf32, #tpu.memory_space<hbm>> -> memref<64x1024xf32, #tpu.memory_space<hbm>>
      %dma_wait3A_13 = arith.constant 0 : i32
      %dma_wait3A_14 = tpu.memref_slice %arg4[%mul3A_2, %dma_wait3A_13] : memref<2048x1024xf32, #tpu.memory_space<hbm>> -> memref<64x1024xf32, #tpu.memory_space<hbm>>
      tpu.wait_dma2 semaphore(%run_scoped3A : memref<!tpu.dma_semaphore, #tpu.memory_space<semaphore_mem>>) src(%arg6 : memref<64x1024xf32, #tpu.memory_space<vmem>>) dst(%dma_wait3A_14 : memref<64x1024xf32, #tpu.memory_space<hbm>>)
      tpu.yield
    }) : () -> ()
    return
  }
}

module attributes {stable_mosaic.version = 14 : i64} {
  func.func @_routing_body(%arg0: memref<2048x1024xf32, #tpu.memory_space<vmem>>, %arg1: memref<8x1024xf32, #tpu.memory_space<vmem>>, %arg2: memref<8x1xf32, #tpu.memory_space<vmem>>, %arg3: memref<1x2048xi32, #tpu.memory_space<vmem>>, %arg4: memref<8x1xi32, #tpu.memory_space<vmem>>) attributes {dimension_semantics = [], scalar_prefetch = 0 : i64, scratch_operands = 0 : i64, tpu.core_type = #tpu.core_type<tc>} {
    %get3A = arith.constant 0 : index
    %get3A_0 = arith.constant 0 : index
    %get3A_1 = vector.load %arg1[%get3A, %get3A_0] : memref<8x1024xf32, #tpu.memory_space<vmem>>, vector<8x1024xf32>
    %get3A_2 = arith.constant 0 : index
    %get3A_3 = arith.constant 0 : index
    %get3A_4 = vector.load %arg0[%get3A_2, %get3A_3] : memref<2048x1024xf32, #tpu.memory_space<vmem>>, vector<2048x1024xf32>
    %dot_general3A = arith.constant dense<0.000000e+00> : vector<8x2048xf32>
    %dot_general3A_5 = tpu.matmul %get3A_1, %get3A_4, %dot_general3A {dimension_numbers = #tpu.dot_dimension_numbers<[1], [1], [0], [0], [0, 0, 1, 0], [], []>, transpose_lhs_hint = false} : vector<8x1024xf32>, vector<2048x1024xf32>, vector<8x2048xf32> -> vector<8x2048xf32>
    %get3A_6 = arith.constant 0 : index
    %get3A_7 = arith.constant 0 : index
    %get3A_8 = vector.load %arg2[%get3A_6, %get3A_7] : memref<8x1xf32, #tpu.memory_space<vmem>>, vector<8x1xf32>
    %add3A = vector.broadcast %get3A_8 : vector<8x1xf32> to vector<8x2048xf32>
    %add3A_9 = arith.addf %dot_general3A_5, %add3A : vector<8x2048xf32>
    %iota3A = tpu.iota {dimensions = array<i32: 0>} : vector<8x2048xi32>
    %reduce_max3A = arith.constant dense<0xFF800000> : vector<2048xf32>
    %reduce_max3A_10 = vector.multi_reduction <maximumf>, %add3A_9, %reduce_max3A [0] : vector<8x2048xf32> to vector<2048xf32>
    %broadcast_in_dim3A = vector.shape_cast %reduce_max3A_10 : vector<2048xf32> to vector<1x2048xf32>
    %ge3A = vector.broadcast %broadcast_in_dim3A : vector<1x2048xf32> to vector<8x2048xf32>
    %ge3A_11 = arith.cmpf oge, %add3A_9, %ge3A : vector<8x2048xf32>
    %jit3A = arith.constant 8 : i32
    %broadcast_in_dim3A_12 = vector.broadcast %jit3A : i32 to vector<8x2048xi32>
    %select_n3A = arith.select %ge3A_11, %iota3A, %broadcast_in_dim3A_12 : vector<8x2048xi1>, vector<8x2048xi32>
    %reduce_min3A = arith.constant dense<2147483647> : vector<2048xi32>
    %reduce_min3A_13 = vector.multi_reduction <minsi>, %select_n3A, %reduce_min3A [0] : vector<8x2048xi32> to vector<2048xi32>
    %broadcast_in_dim3A_14 = vector.shape_cast %reduce_min3A_13 : vector<2048xi32> to vector<1x2048xi32>
    %eq3A = vector.broadcast %broadcast_in_dim3A_14 : vector<1x2048xi32> to vector<8x2048xi32>
    %eq3A_15 = arith.cmpi eq, %iota3A, %eq3A : vector<8x2048xi32>
    %convert_element_type3A = arith.extui %eq3A_15 : vector<8x2048xi1> to vector<8x2048xi32>
    %convert_element_type3A_16 = arith.sitofp %convert_element_type3A : vector<8x2048xi32> to vector<8x2048xf32>
    %reduce_sum3A = arith.constant dense<0.000000e+00> : vector<8xf32>
    %reduce_sum3A_17 = vector.multi_reduction <add>, %convert_element_type3A_16, %reduce_sum3A [1] : vector<8x2048xf32> to vector<8xf32>
    %broadcast_in_dim3A_18 = vector.shape_cast %reduce_sum3A_17 : vector<8xf32> to vector<8x1xf32>
    %iota3A_19 = tpu.iota {dimensions = array<i32: 0>} : vector<8x8xi32>
    %iota3A_20 = tpu.iota {dimensions = array<i32: 1>} : vector<8x8xi32>
    %lt3A = arith.cmpi slt, %iota3A_20, %iota3A_19 : vector<8x8xi32>
    %convert_element_type3A_21 = arith.extui %lt3A : vector<8x8xi1> to vector<8x8xi32>
    %convert_element_type3A_22 = arith.sitofp %convert_element_type3A_21 : vector<8x8xi32> to vector<8x8xf32>
    %dot_general3A_23 = arith.constant dense<0.000000e+00> : vector<8x1xf32>
    %dot_general3A_24 = tpu.matmul %convert_element_type3A_22, %broadcast_in_dim3A_18, %dot_general3A_23 {dimension_numbers = #tpu.dot_dimension_numbers<[1], [0], [0], [1], [0, 0, 1, 1], [], []>, precision = #tpu.contract_precision<fp32>, transpose_lhs_hint = false} : vector<8x8xf32>, vector<8x1xf32>, vector<8x1xf32> -> vector<8x1xf32>
    %iota3A_25 = tpu.iota {dimensions = array<i32: 0>} : vector<256x256xi32>
    %iota3A_26 = tpu.iota {dimensions = array<i32: 1>} : vector<256x256xi32>
    %le3A = arith.cmpi sle, %iota3A_25, %iota3A_26 : vector<256x256xi32>
    %convert_element_type3A_27 = arith.extui %le3A : vector<256x256xi1> to vector<256x256xi32>
    %convert_element_type3A_28 = arith.sitofp %convert_element_type3A_27 : vector<256x256xi32> to vector<256x256xf32>
    %broadcast_in_dim3A_29 = arith.constant 0.000000e+00 : f32
    %broadcast_in_dim3A_30 = vector.broadcast %broadcast_in_dim3A_29 : f32 to vector<8x1xf32>
    %slice3A = vector.extract_strided_slice %convert_element_type3A_16 {offsets = [0, 0], sizes = [8, 256], strides = [1, 1]} : vector<8x2048xf32> to vector<8x256xf32>
    %dot_general3A_31 = arith.constant dense<0.000000e+00> : vector<8x256xf32>
    %dot_general3A_32 = tpu.matmul %slice3A, %convert_element_type3A_28, %dot_general3A_31 {dimension_numbers = #tpu.dot_dimension_numbers<[1], [0], [0], [1], [0, 0, 1, 1], [], []>, transpose_lhs_hint = false} : vector<8x256xf32>, vector<256x256xf32>, vector<8x256xf32> -> vector<8x256xf32>
    %add3A_33 = arith.addf %dot_general3A_24, %broadcast_in_dim3A_30 : vector<8x1xf32>
    %add3A_34 = vector.broadcast %add3A_33 : vector<8x1xf32> to vector<8x256xf32>
    %add3A_35 = arith.addf %add3A_34, %dot_general3A_32 : vector<8x256xf32>
    %sub3A = arith.constant 1.000000e+00 : f32
    %sub3A_36 = vector.broadcast %sub3A : f32 to vector<8x256xf32>
    %sub3A_37 = arith.subf %add3A_35, %sub3A_36 : vector<8x256xf32>
    %mul3A = arith.mulf %slice3A, %sub3A_37 : vector<8x256xf32>
    %reduce_sum3A_38 = arith.constant dense<0.000000e+00> : vector<256xf32>
    %reduce_sum3A_39 = vector.multi_reduction <add>, %mul3A, %reduce_sum3A_38 [0] : vector<8x256xf32> to vector<256xf32>
    %broadcast_in_dim3A_40 = vector.shape_cast %reduce_sum3A_39 : vector<256xf32> to vector<1x256xf32>
    %convert_element_type3A_41 = arith.fptosi %broadcast_in_dim3A_40 : vector<1x256xf32> to vector<1x256xi32>
    %swap3A = arith.constant 0 : index
    %swap3A_42 = arith.constant 0 : index
    %swap3A_43 = vector.load %arg3[%swap3A, %swap3A_42] : memref<1x2048xi32, #tpu.memory_space<vmem>>, vector<1x256xi32>
    tpu.vector_store %arg3[%swap3A, %swap3A_42], %convert_element_type3A_41 {strides = array<i32>} : memref<1x2048xi32, #tpu.memory_space<vmem>>, vector<1x256xi32>,
    %reduce_sum3A_44 = arith.constant dense<0.000000e+00> : vector<8xf32>
    %reduce_sum3A_45 = vector.multi_reduction <add>, %slice3A, %reduce_sum3A_44 [1] : vector<8x256xf32> to vector<8xf32>
    %broadcast_in_dim3A_46 = vector.shape_cast %reduce_sum3A_45 : vector<8xf32> to vector<8x1xf32>
    %add3A_47 = arith.addf %broadcast_in_dim3A_30, %broadcast_in_dim3A_46 : vector<8x1xf32>
    %slice3A_48 = vector.extract_strided_slice %convert_element_type3A_16 {offsets = [0, 256], sizes = [8, 256], strides = [1, 1]} : vector<8x2048xf32> to vector<8x256xf32>
    %dot_general3A_49 = arith.constant dense<0.000000e+00> : vector<8x256xf32>
    %dot_general3A_50 = tpu.matmul %slice3A_48, %convert_element_type3A_28, %dot_general3A_49 {dimension_numbers = #tpu.dot_dimension_numbers<[1], [0], [0], [1], [0, 0, 1, 1], [], []>, transpose_lhs_hint = false} : vector<8x256xf32>, vector<256x256xf32>, vector<8x256xf32> -> vector<8x256xf32>
    %add3A_51 = arith.addf %dot_general3A_24, %add3A_47 : vector<8x1xf32>
    %add3A_52 = vector.broadcast %add3A_51 : vector<8x1xf32> to vector<8x256xf32>
    %add3A_53 = arith.addf %add3A_52, %dot_general3A_50 : vector<8x256xf32>
    %sub3A_54 = arith.constant 1.000000e+00 : f32
    %sub3A_55 = vector.broadcast %sub3A_54 : f32 to vector<8x256xf32>
    %sub3A_56 = arith.subf %add3A_53, %sub3A_55 : vector<8x256xf32>
    %mul3A_57 = arith.mulf %slice3A_48, %sub3A_56 : vector<8x256xf32>
    %reduce_sum3A_58 = arith.constant dense<0.000000e+00> : vector<256xf32>
    %reduce_sum3A_59 = vector.multi_reduction <add>, %mul3A_57, %reduce_sum3A_58 [0] : vector<8x256xf32> to vector<256xf32>
    %broadcast_in_dim3A_60 = vector.shape_cast %reduce_sum3A_59 : vector<256xf32> to vector<1x256xf32>
    %convert_element_type3A_61 = arith.fptosi %broadcast_in_dim3A_60 : vector<1x256xf32> to vector<1x256xi32>
    %swap3A_62 = arith.constant 0 : index
    %swap3A_63 = arith.constant 256 : index
    %swap3A_64 = vector.load %arg3[%swap3A_62, %swap3A_63] : memref<1x2048xi32, #tpu.memory_space<vmem>>, vector<1x256xi32>
    tpu.vector_store %arg3[%swap3A_62, %swap3A_63], %convert_element_type3A_61 {strides = array<i32>} : memref<1x2048xi32, #tpu.memory_space<vmem>>, vector<1x256xi32>,
    %reduce_sum3A_65 = arith.constant dense<0.000000e+00> : vector<8xf32>
    %reduce_sum3A_66 = vector.multi_reduction <add>, %slice3A_48, %reduce_sum3A_65 [1] : vector<8x256xf32> to vector<8xf32>
    %broadcast_in_dim3A_67 = vector.shape_cast %reduce_sum3A_66 : vector<8xf32> to vector<8x1xf32>
    %add3A_68 = arith.addf %add3A_47, %broadcast_in_dim3A_67 : vector<8x1xf32>
    %slice3A_69 = vector.extract_strided_slice %convert_element_type3A_16 {offsets = [0, 512], sizes = [8, 256], strides = [1, 1]} : vector<8x2048xf32> to vector<8x256xf32>
    %dot_general3A_70 = arith.constant dense<0.000000e+00> : vector<8x256xf32>
    %dot_general3A_71 = tpu.matmul %slice3A_69, %convert_element_type3A_28, %dot_general3A_70 {dimension_numbers = #tpu.dot_dimension_numbers<[1], [0], [0], [1], [0, 0, 1, 1], [], []>, transpose_lhs_hint = false} : vector<8x256xf32>, vector<256x256xf32>, vector<8x256xf32> -> vector<8x256xf32>
    %add3A_72 = arith.addf %dot_general3A_24, %add3A_68 : vector<8x1xf32>
    %add3A_73 = vector.broadcast %add3A_72 : vector<8x1xf32> to vector<8x256xf32>
    %add3A_74 = arith.addf %add3A_73, %dot_general3A_71 : vector<8x256xf32>
    %sub3A_75 = arith.constant 1.000000e+00 : f32
    %sub3A_76 = vector.broadcast %sub3A_75 : f32 to vector<8x256xf32>
    %sub3A_77 = arith.subf %add3A_74, %sub3A_76 : vector<8x256xf32>
    %mul3A_78 = arith.mulf %slice3A_69, %sub3A_77 : vector<8x256xf32>
    %reduce_sum3A_79 = arith.constant dense<0.000000e+00> : vector<256xf32>
    %reduce_sum3A_80 = vector.multi_reduction <add>, %mul3A_78, %reduce_sum3A_79 [0] : vector<8x256xf32> to vector<256xf32>
    %broadcast_in_dim3A_81 = vector.shape_cast %reduce_sum3A_80 : vector<256xf32> to vector<1x256xf32>
    %convert_element_type3A_82 = arith.fptosi %broadcast_in_dim3A_81 : vector<1x256xf32> to vector<1x256xi32>
    %swap3A_83 = arith.constant 0 : index
    %swap3A_84 = arith.constant 512 : index
    %swap3A_85 = vector.load %arg3[%swap3A_83, %swap3A_84] : memref<1x2048xi32, #tpu.memory_space<vmem>>, vector<1x256xi32>
    tpu.vector_store %arg3[%swap3A_83, %swap3A_84], %convert_element_type3A_82 {strides = array<i32>} : memref<1x2048xi32, #tpu.memory_space<vmem>>, vector<1x256xi32>,
    %reduce_sum3A_86 = arith.constant dense<0.000000e+00> : vector<8xf32>
    %reduce_sum3A_87 = vector.multi_reduction <add>, %slice3A_69, %reduce_sum3A_86 [1] : vector<8x256xf32> to vector<8xf32>
    %broadcast_in_dim3A_88 = vector.shape_cast %reduce_sum3A_87 : vector<8xf32> to vector<8x1xf32>
    %add3A_89 = arith.addf %add3A_68, %broadcast_in_dim3A_88 : vector<8x1xf32>
    %slice3A_90 = vector.extract_strided_slice %convert_element_type3A_16 {offsets = [0, 768], sizes = [8, 256], strides = [1, 1]} : vector<8x2048xf32> to vector<8x256xf32>
    %dot_general3A_91 = arith.constant dense<0.000000e+00> : vector<8x256xf32>
    %dot_general3A_92 = tpu.matmul %slice3A_90, %convert_element_type3A_28, %dot_general3A_91 {dimension_numbers = #tpu.dot_dimension_numbers<[1], [0], [0], [1], [0, 0, 1, 1], [], []>, transpose_lhs_hint = false} : vector<8x256xf32>, vector<256x256xf32>, vector<8x256xf32> -> vector<8x256xf32>
    %add3A_93 = arith.addf %dot_general3A_24, %add3A_89 : vector<8x1xf32>
    %add3A_94 = vector.broadcast %add3A_93 : vector<8x1xf32> to vector<8x256xf32>
    %add3A_95 = arith.addf %add3A_94, %dot_general3A_92 : vector<8x256xf32>
    %sub3A_96 = arith.constant 1.000000e+00 : f32
    %sub3A_97 = vector.broadcast %sub3A_96 : f32 to vector<8x256xf32>
    %sub3A_98 = arith.subf %add3A_95, %sub3A_97 : vector<8x256xf32>
    %mul3A_99 = arith.mulf %slice3A_90, %sub3A_98 : vector<8x256xf32>
    %reduce_sum3A_100 = arith.constant dense<0.000000e+00> : vector<256xf32>
    %reduce_sum3A_101 = vector.multi_reduction <add>, %mul3A_99, %reduce_sum3A_100 [0] : vector<8x256xf32> to vector<256xf32>
    %broadcast_in_dim3A_102 = vector.shape_cast %reduce_sum3A_101 : vector<256xf32> to vector<1x256xf32>
    %convert_element_type3A_103 = arith.fptosi %broadcast_in_dim3A_102 : vector<1x256xf32> to vector<1x256xi32>
    %swap3A_104 = arith.constant 0 : index
    %swap3A_105 = arith.constant 768 : index
    %swap3A_106 = vector.load %arg3[%swap3A_104, %swap3A_105] : memref<1x2048xi32, #tpu.memory_space<vmem>>, vector<1x256xi32>
    tpu.vector_store %arg3[%swap3A_104, %swap3A_105], %convert_element_type3A_103 {strides = array<i32>} : memref<1x2048xi32, #tpu.memory_space<vmem>>, vector<1x256xi32>,
    %reduce_sum3A_107 = arith.constant dense<0.000000e+00> : vector<8xf32>
    %reduce_sum3A_108 = vector.multi_reduction <add>, %slice3A_90, %reduce_sum3A_107 [1] : vector<8x256xf32> to vector<8xf32>
    %broadcast_in_dim3A_109 = vector.shape_cast %reduce_sum3A_108 : vector<8xf32> to vector<8x1xf32>
    %add3A_110 = arith.addf %add3A_89, %broadcast_in_dim3A_109 : vector<8x1xf32>
    %slice3A_111 = vector.extract_strided_slice %convert_element_type3A_16 {offsets = [0, 1024], sizes = [8, 256], strides = [1, 1]} : vector<8x2048xf32> to vector<8x256xf32>
    %dot_general3A_112 = arith.constant dense<0.000000e+00> : vector<8x256xf32>
    %dot_general3A_113 = tpu.matmul %slice3A_111, %convert_element_type3A_28, %dot_general3A_112 {dimension_numbers = #tpu.dot_dimension_numbers<[1], [0], [0], [1], [0, 0, 1, 1], [], []>, transpose_lhs_hint = false} : vector<8x256xf32>, vector<256x256xf32>, vector<8x256xf32> -> vector<8x256xf32>
    %add3A_114 = arith.addf %dot_general3A_24, %add3A_110 : vector<8x1xf32>
    %add3A_115 = vector.broadcast %add3A_114 : vector<8x1xf32> to vector<8x256xf32>
    %add3A_116 = arith.addf %add3A_115, %dot_general3A_113 : vector<8x256xf32>
    %sub3A_117 = arith.constant 1.000000e+00 : f32
    %sub3A_118 = vector.broadcast %sub3A_117 : f32 to vector<8x256xf32>
    %sub3A_119 = arith.subf %add3A_116, %sub3A_118 : vector<8x256xf32>
    %mul3A_120 = arith.mulf %slice3A_111, %sub3A_119 : vector<8x256xf32>
    %reduce_sum3A_121 = arith.constant dense<0.000000e+00> : vector<256xf32>
    %reduce_sum3A_122 = vector.multi_reduction <add>, %mul3A_120, %reduce_sum3A_121 [0] : vector<8x256xf32> to vector<256xf32>
    %broadcast_in_dim3A_123 = vector.shape_cast %reduce_sum3A_122 : vector<256xf32> to vector<1x256xf32>
    %convert_element_type3A_124 = arith.fptosi %broadcast_in_dim3A_123 : vector<1x256xf32> to vector<1x256xi32>
    %swap3A_125 = arith.constant 0 : index
    %swap3A_126 = arith.constant 1024 : index
    %swap3A_127 = vector.load %arg3[%swap3A_125, %swap3A_126] : memref<1x2048xi32, #tpu.memory_space<vmem>>, vector<1x256xi32>
    tpu.vector_store %arg3[%swap3A_125, %swap3A_126], %convert_element_type3A_124 {strides = array<i32>} : memref<1x2048xi32, #tpu.memory_space<vmem>>, vector<1x256xi32>,
    %reduce_sum3A_128 = arith.constant dense<0.000000e+00> : vector<8xf32>
    %reduce_sum3A_129 = vector.multi_reduction <add>, %slice3A_111, %reduce_sum3A_128 [1] : vector<8x256xf32> to vector<8xf32>
    %broadcast_in_dim3A_130 = vector.shape_cast %reduce_sum3A_129 : vector<8xf32> to vector<8x1xf32>
    %add3A_131 = arith.addf %add3A_110, %broadcast_in_dim3A_130 : vector<8x1xf32>
    %slice3A_132 = vector.extract_strided_slice %convert_element_type3A_16 {offsets = [0, 1280], sizes = [8, 256], strides = [1, 1]} : vector<8x2048xf32> to vector<8x256xf32>
    %dot_general3A_133 = arith.constant dense<0.000000e+00> : vector<8x256xf32>
    %dot_general3A_134 = tpu.matmul %slice3A_132, %convert_element_type3A_28, %dot_general3A_133 {dimension_numbers = #tpu.dot_dimension_numbers<[1], [0], [0], [1], [0, 0, 1, 1], [], []>, transpose_lhs_hint = false} : vector<8x256xf32>, vector<256x256xf32>, vector<8x256xf32> -> vector<8x256xf32>
    %add3A_135 = arith.addf %dot_general3A_24, %add3A_131 : vector<8x1xf32>
    %add3A_136 = vector.broadcast %add3A_135 : vector<8x1xf32> to vector<8x256xf32>
    %add3A_137 = arith.addf %add3A_136, %dot_general3A_134 : vector<8x256xf32>
    %sub3A_138 = arith.constant 1.000000e+00 : f32
    %sub3A_139 = vector.broadcast %sub3A_138 : f32 to vector<8x256xf32>
    %sub3A_140 = arith.subf %add3A_137, %sub3A_139 : vector<8x256xf32>
    %mul3A_141 = arith.mulf %slice3A_132, %sub3A_140 : vector<8x256xf32>
    %reduce_sum3A_142 = arith.constant dense<0.000000e+00> : vector<256xf32>
    %reduce_sum3A_143 = vector.multi_reduction <add>, %mul3A_141, %reduce_sum3A_142 [0] : vector<8x256xf32> to vector<256xf32>
    %broadcast_in_dim3A_144 = vector.shape_cast %reduce_sum3A_143 : vector<256xf32> to vector<1x256xf32>
    %convert_element_type3A_145 = arith.fptosi %broadcast_in_dim3A_144 : vector<1x256xf32> to vector<1x256xi32>
    %swap3A_146 = arith.constant 0 : index
    %swap3A_147 = arith.constant 1280 : index
    %swap3A_148 = vector.load %arg3[%swap3A_146, %swap3A_147] : memref<1x2048xi32, #tpu.memory_space<vmem>>, vector<1x256xi32>
    tpu.vector_store %arg3[%swap3A_146, %swap3A_147], %convert_element_type3A_145 {strides = array<i32>} : memref<1x2048xi32, #tpu.memory_space<vmem>>, vector<1x256xi32>,
    %reduce_sum3A_149 = arith.constant dense<0.000000e+00> : vector<8xf32>
    %reduce_sum3A_150 = vector.multi_reduction <add>, %slice3A_132, %reduce_sum3A_149 [1] : vector<8x256xf32> to vector<8xf32>
    %broadcast_in_dim3A_151 = vector.shape_cast %reduce_sum3A_150 : vector<8xf32> to vector<8x1xf32>
    %add3A_152 = arith.addf %add3A_131, %broadcast_in_dim3A_151 : vector<8x1xf32>
    %slice3A_153 = vector.extract_strided_slice %convert_element_type3A_16 {offsets = [0, 1536], sizes = [8, 256], strides = [1, 1]} : vector<8x2048xf32> to vector<8x256xf32>
    %dot_general3A_154 = arith.constant dense<0.000000e+00> : vector<8x256xf32>
    %dot_general3A_155 = tpu.matmul %slice3A_153, %convert_element_type3A_28, %dot_general3A_154 {dimension_numbers = #tpu.dot_dimension_numbers<[1], [0], [0], [1], [0, 0, 1, 1], [], []>, transpose_lhs_hint = false} : vector<8x256xf32>, vector<256x256xf32>, vector<8x256xf32> -> vector<8x256xf32>
    %add3A_156 = arith.addf %dot_general3A_24, %add3A_152 : vector<8x1xf32>
    %add3A_157 = vector.broadcast %add3A_156 : vector<8x1xf32> to vector<8x256xf32>
    %add3A_158 = arith.addf %add3A_157, %dot_general3A_155 : vector<8x256xf32>
    %sub3A_159 = arith.constant 1.000000e+00 : f32
    %sub3A_160 = vector.broadcast %sub3A_159 : f32 to vector<8x256xf32>
    %sub3A_161 = arith.subf %add3A_158, %sub3A_160 : vector<8x256xf32>
    %mul3A_162 = arith.mulf %slice3A_153, %sub3A_161 : vector<8x256xf32>
    %reduce_sum3A_163 = arith.constant dense<0.000000e+00> : vector<256xf32>
    %reduce_sum3A_164 = vector.multi_reduction <add>, %mul3A_162, %reduce_sum3A_163 [0] : vector<8x256xf32> to vector<256xf32>
    %broadcast_in_dim3A_165 = vector.shape_cast %reduce_sum3A_164 : vector<256xf32> to vector<1x256xf32>
    %convert_element_type3A_166 = arith.fptosi %broadcast_in_dim3A_165 : vector<1x256xf32> to vector<1x256xi32>
    %swap3A_167 = arith.constant 0 : index
    %swap3A_168 = arith.constant 1536 : index
    %swap3A_169 = vector.load %arg3[%swap3A_167, %swap3A_168] : memref<1x2048xi32, #tpu.memory_space<vmem>>, vector<1x256xi32>
    tpu.vector_store %arg3[%swap3A_167, %swap3A_168], %convert_element_type3A_166 {strides = array<i32>} : memref<1x2048xi32, #tpu.memory_space<vmem>>, vector<1x256xi32>,
    %reduce_sum3A_170 = arith.constant dense<0.000000e+00> : vector<8xf32>
    %reduce_sum3A_171 = vector.multi_reduction <add>, %slice3A_153, %reduce_sum3A_170 [1] : vector<8x256xf32> to vector<8xf32>
    %broadcast_in_dim3A_172 = vector.shape_cast %reduce_sum3A_171 : vector<8xf32> to vector<8x1xf32>
    %add3A_173 = arith.addf %add3A_152, %broadcast_in_dim3A_172 : vector<8x1xf32>
    %slice3A_174 = vector.extract_strided_slice %convert_element_type3A_16 {offsets = [0, 1792], sizes = [8, 256], strides = [1, 1]} : vector<8x2048xf32> to vector<8x256xf32>
    %dot_general3A_175 = arith.constant dense<0.000000e+00> : vector<8x256xf32>
    %dot_general3A_176 = tpu.matmul %slice3A_174, %convert_element_type3A_28, %dot_general3A_175 {dimension_numbers = #tpu.dot_dimension_numbers<[1], [0], [0], [1], [0, 0, 1, 1], [], []>, transpose_lhs_hint = false} : vector<8x256xf32>, vector<256x256xf32>, vector<8x256xf32> -> vector<8x256xf32>
    %add3A_177 = arith.addf %dot_general3A_24, %add3A_173 : vector<8x1xf32>
    %add3A_178 = vector.broadcast %add3A_177 : vector<8x1xf32> to vector<8x256xf32>
    %add3A_179 = arith.addf %add3A_178, %dot_general3A_176 : vector<8x256xf32>
    %sub3A_180 = arith.constant 1.000000e+00 : f32
    %sub3A_181 = vector.broadcast %sub3A_180 : f32 to vector<8x256xf32>
    %sub3A_182 = arith.subf %add3A_179, %sub3A_181 : vector<8x256xf32>
    %mul3A_183 = arith.mulf %slice3A_174, %sub3A_182 : vector<8x256xf32>
    %reduce_sum3A_184 = arith.constant dense<0.000000e+00> : vector<256xf32>
    %reduce_sum3A_185 = vector.multi_reduction <add>, %mul3A_183, %reduce_sum3A_184 [0] : vector<8x256xf32> to vector<256xf32>
    %broadcast_in_dim3A_186 = vector.shape_cast %reduce_sum3A_185 : vector<256xf32> to vector<1x256xf32>
    %convert_element_type3A_187 = arith.fptosi %broadcast_in_dim3A_186 : vector<1x256xf32> to vector<1x256xi32>
    %swap3A_188 = arith.constant 0 : index
    %swap3A_189 = arith.constant 1792 : index
    %swap3A_190 = vector.load %arg3[%swap3A_188, %swap3A_189] : memref<1x2048xi32, #tpu.memory_space<vmem>>, vector<1x256xi32>
    tpu.vector_store %arg3[%swap3A_188, %swap3A_189], %convert_element_type3A_187 {strides = array<i32>} : memref<1x2048xi32, #tpu.memory_space<vmem>>, vector<1x256xi32>,
    %convert_element_type3A_191 = arith.fptosi %broadcast_in_dim3A_18 : vector<8x1xf32> to vector<8x1xi32>
    %swap3A_192 = arith.constant 0 : index
    %swap3A_193 = arith.constant 0 : index
    %swap3A_194 = vector.load %arg4[%swap3A_192, %swap3A_193] : memref<8x1xi32, #tpu.memory_space<vmem>>, vector<8x1xi32>
    tpu.vector_store %arg4[%swap3A_192, %swap3A_193], %convert_element_type3A_191 {strides = array<i32>} : memref<8x1xi32, #tpu.memory_space<vmem>>, vector<8x1xi32>,
    return
  }
}

module attributes {stable_mosaic.version = 14 : i64} {
  func.func @_moe_body(%arg0: i32, %arg1: i32, %arg2: memref<15xi32, #tpu.memory_space<smem>>, %arg3: memref<15xi32, #tpu.memory_space<smem>>, %arg4: memref<15xi32, #tpu.memory_space<smem>>, %arg5: memref<15xi32, #tpu.memory_space<smem>>, %arg6: memref<2048x1024xf32, #tpu.memory_space<vmem>>, %arg7: memref<1x1024x1024xf32, #tpu.memory_space<vmem>>, %arg8: memref<1x1024x1024xf32, #tpu.memory_space<vmem>>, %arg9: memref<1x1024x1024xf32, #tpu.memory_space<vmem>>, %arg10: memref<2048x1024xf32, #tpu.memory_space<vmem>>) attributes {dimension_semantics = [#tpu.dimension_semantics<arbitrary>, #tpu.dimension_semantics<arbitrary>], iteration_bounds = array<i64: 4, 15>, scalar_prefetch = 4 : i64, scratch_operands = 0 : i64, tpu.core_type = #tpu.core_type<tc>, window_params = [{pipeline_mode = #tpu.pipeline_mode<synchronous>, transform_indices = @transform_0, window_bounds = array<i64: 2048, 1024>}, {transform_indices = @transform_1, window_bounds = array<i64: 1, 1024, 1024>}, {transform_indices = @transform_2, window_bounds = array<i64: 1, 1024, 1024>}, {transform_indices = @transform_3, window_bounds = array<i64: 1, 1024, 1024>}, {pipeline_mode = #tpu.pipeline_mode<synchronous>, transform_indices = @transform_4, window_bounds = array<i64: 2048, 1024>}]} {
    %eq3A = arith.constant 0 : i32
    %eq3A_0 = arith.cmpi eq, %arg0, %eq3A : i32
    %eq3A_1 = arith.constant 0 : i32
    %eq3A_2 = arith.cmpi eq, %arg1, %eq3A_1 : i32
    %and3A = arith.andi %eq3A_0, %eq3A_2 : i1
    %convert_element_type3A = arith.extui %and3A : i1 to i32
    %cond3A = arith.constant 0 : i32
    %cond3A_3 = arith.cmpi ne, %convert_element_type3A, %cond3A : i32
    scf.if %cond3A_3 {
      %broadcast_in_dim3A = arith.constant 0.000000e+00 : f32
      %broadcast_in_dim3A_12 = vector.broadcast %broadcast_in_dim3A : f32 to vector<2048x1024xf32>
      %swap3A = arith.constant 0 : index
      %swap3A_13 = arith.constant 0 : index
      %swap3A_14 = vector.load %arg10[%swap3A, %swap3A_13] : memref<2048x1024xf32, #tpu.memory_space<vmem>>, vector<2048x1024xf32>
      tpu.vector_store %arg10[%swap3A, %swap3A_13], %broadcast_in_dim3A_12 {strides = array<i32>} : memref<2048x1024xf32, #tpu.memory_space<vmem>>, vector<2048x1024xf32>,
    } else {
    }
    %get3A = arith.index_cast %arg1 : i32 to index
    %get3A_4 = memref.load %arg2[%get3A] : memref<15xi32, #tpu.memory_space<smem>>
    %get3A_5 = arith.index_cast %arg1 : i32 to index
    %get3A_6 = memref.load %arg4[%get3A_5] : memref<15xi32, #tpu.memory_space<smem>>
    %get3A_7 = arith.index_cast %arg1 : i32 to index
    %get3A_8 = memref.load %arg5[%get3A_7] : memref<15xi32, #tpu.memory_space<smem>>
    %gt3A = arith.cmpi sgt, %get3A_8, %get3A_6 : i32
    %convert_element_type3A_9 = arith.extui %gt3A : i1 to i32
    %cond3A_10 = arith.constant 0 : i32
    %cond3A_11 = arith.cmpi ne, %convert_element_type3A_9, %cond3A_10 : i32
    scf.if %cond3A_11 {
      %mul3A = arith.constant 256 : i32
      %mul3A_12 = arith.muli %get3A_4, %mul3A : i32
      %get3A_13 = arith.index_cast %mul3A_12 : i32 to index
      %get3A_14 = arith.constant 0 : index
      %get3A_15 = vector.load %arg6[%get3A_13, %get3A_14] : memref<2048x1024xf32, #tpu.memory_space<vmem>>, vector<256x1024xf32>
      %get3A_16 = arith.constant 0 : index
      %get3A_17 = arith.constant 0 : index
      %get3A_18 = arith.constant 0 : index
      %get3A_19 = vector.load %arg7[%get3A_16, %get3A_17, %get3A_18] : memref<1x1024x1024xf32, #tpu.memory_space<vmem>>, vector<1x1024x1024xf32>
      %get3A_20 = vector.shape_cast %get3A_19 : vector<1x1024x1024xf32> to vector<1024x1024xf32>
      %get3A_21 = arith.constant 0 : index
      %get3A_22 = arith.constant 0 : index
      %get3A_23 = arith.constant 0 : index
      %get3A_24 = vector.load %arg8[%get3A_21, %get3A_22, %get3A_23] : memref<1x1024x1024xf32, #tpu.memory_space<vmem>>, vector<1x1024x1024xf32>
      %get3A_25 = vector.shape_cast %get3A_24 : vector<1x1024x1024xf32> to vector<1024x1024xf32>
      %get3A_26 = arith.constant 0 : index
      %get3A_27 = arith.constant 0 : index
      %get3A_28 = arith.constant 0 : index
      %get3A_29 = vector.load %arg9[%get3A_26, %get3A_27, %get3A_28] : memref<1x1024x1024xf32, #tpu.memory_space<vmem>>, vector<1x1024x1024xf32>
      %get3A_30 = vector.shape_cast %get3A_29 : vector<1x1024x1024xf32> to vector<1024x1024xf32>
      %dot_general3A = arith.constant dense<0.000000e+00> : vector<256x1024xf32>
      %dot_general3A_31 = tpu.matmul %get3A_15, %get3A_20, %dot_general3A {dimension_numbers = #tpu.dot_dimension_numbers<[1], [1], [0], [0], [0, 0, 1, 0], [], []>, transpose_lhs_hint = false} : vector<256x1024xf32>, vector<1024x1024xf32>, vector<256x1024xf32> -> vector<256x1024xf32>
      %dot_general3A_32 = arith.constant dense<0.000000e+00> : vector<256x1024xf32>
      %dot_general3A_33 = tpu.matmul %get3A_15, %get3A_25, %dot_general3A_32 {dimension_numbers = #tpu.dot_dimension_numbers<[1], [1], [0], [0], [0, 0, 1, 0], [], []>, transpose_lhs_hint = false} : vector<256x1024xf32>, vector<1024x1024xf32>, vector<256x1024xf32> -> vector<256x1024xf32>
      %logistic3A = arith.negf %dot_general3A_31 : vector<256x1024xf32>
      %logistic3A_34 = math.exp %logistic3A : vector<256x1024xf32>
      %logistic3A_35 = arith.constant 1.000000e+00 : f32
      %logistic3A_36 = vector.broadcast %logistic3A_35 : f32 to vector<256x1024xf32>
      %logistic3A_37 = arith.addf %logistic3A_36, %logistic3A_34 : vector<256x1024xf32>
      %logistic3A_38 = arith.divf %logistic3A_36, %logistic3A_37 : vector<256x1024xf32>
      %mul3A_39 = arith.mulf %dot_general3A_31, %logistic3A_38 : vector<256x1024xf32>
      %mul3A_40 = arith.mulf %mul3A_39, %dot_general3A_33 : vector<256x1024xf32>
      %dot_general3A_41 = arith.constant dense<0.000000e+00> : vector<256x1024xf32>
      %dot_general3A_42 = tpu.matmul %mul3A_40, %get3A_30, %dot_general3A_41 {dimension_numbers = #tpu.dot_dimension_numbers<[1], [1], [0], [0], [0, 0, 1, 0], [], []>, transpose_lhs_hint = false} : vector<256x1024xf32>, vector<1024x1024xf32>, vector<256x1024xf32> -> vector<256x1024xf32>
      %iota3A = tpu.iota {dimensions = array<i32: 0>} : vector<256x1xi32>
      %ge3A = vector.broadcast %get3A_6 : i32 to vector<256x1xi32>
      %ge3A_43 = arith.cmpi sge, %iota3A, %ge3A : vector<256x1xi32>
      %lt3A = vector.broadcast %get3A_8 : i32 to vector<256x1xi32>
      %lt3A_44 = arith.cmpi slt, %iota3A, %lt3A : vector<256x1xi32>
      %and3A_45 = arith.andi %ge3A_43, %lt3A_44 : vector<256x1xi1>
      %convert_element_type3A_46 = arith.extui %and3A_45 : vector<256x1xi1> to vector<256x1xi32>
      %convert_element_type3A_47 = arith.sitofp %convert_element_type3A_46 : vector<256x1xi32> to vector<256x1xf32>
      %mul3A_48 = arith.constant 256 : i32
      %mul3A_49 = arith.muli %get3A_4, %mul3A_48 : i32
      %get3A_50 = arith.index_cast %mul3A_49 : i32 to index
      %get3A_51 = arith.constant 0 : index
      %get3A_52 = vector.load %arg10[%get3A_50, %get3A_51] : memref<2048x1024xf32, #tpu.memory_space<vmem>>, vector<256x1024xf32>
      %mul3A_53 = vector.broadcast %convert_element_type3A_47 : vector<256x1xf32> to vector<256x1024xf32>
      %mul3A_54 = arith.mulf %dot_general3A_42, %mul3A_53 : vector<256x1024xf32>
      %add3A = arith.addf %get3A_52, %mul3A_54 : vector<256x1024xf32>
      %swap3A = arith.index_cast %mul3A_49 : i32 to index
      %swap3A_55 = arith.constant 0 : index
      %swap3A_56 = vector.load %arg10[%swap3A, %swap3A_55] : memref<2048x1024xf32, #tpu.memory_space<vmem>>, vector<256x1024xf32>
      tpu.vector_store %arg10[%swap3A, %swap3A_55], %add3A {strides = array<i32>} : memref<2048x1024xf32, #tpu.memory_space<vmem>>, vector<256x1024xf32>,
    } else {
    }
    return
  }
  func.func @transform_0(%arg0: i32, %arg1: i32, %arg2: memref<15xi32, #tpu.memory_space<smem>>, %arg3: memref<15xi32, #tpu.memory_space<smem>>, %arg4: memref<15xi32, #tpu.memory_space<smem>>, %arg5: memref<15xi32, #tpu.memory_space<smem>>) -> (i32, i32) {
    %c0_i32 = arith.constant 0 : i32
    %c0_i32_0 = arith.constant 0 : i32
    %c0_i32_1 = arith.constant 0 : i32
    return %c0_i32, %c0_i32_0 : i32, i32
  }
  func.func @transform_1(%arg0: i32, %arg1: i32, %arg2: memref<15xi32, #tpu.memory_space<smem>>, %arg3: memref<15xi32, #tpu.memory_space<smem>>, %arg4: memref<15xi32, #tpu.memory_space<smem>>, %arg5: memref<15xi32, #tpu.memory_space<smem>>) -> (i32, i32, i32) {
    %get3A = arith.index_cast %arg1 : i32 to index
    %get3A_0 = memref.load %arg3[%get3A] : memref<15xi32, #tpu.memory_space<smem>>
    %c0_i32 = arith.constant 0 : i32
    %c0_i32_1 = arith.constant 0 : i32
    return %get3A_0, %arg0, %c0_i32 : i32, i32, i32
  }
  func.func @transform_2(%arg0: i32, %arg1: i32, %arg2: memref<15xi32, #tpu.memory_space<smem>>, %arg3: memref<15xi32, #tpu.memory_space<smem>>, %arg4: memref<15xi32, #tpu.memory_space<smem>>, %arg5: memref<15xi32, #tpu.memory_space<smem>>) -> (i32, i32, i32) {
    %get3A = arith.index_cast %arg1 : i32 to index
    %get3A_0 = memref.load %arg3[%get3A] : memref<15xi32, #tpu.memory_space<smem>>
    %c0_i32 = arith.constant 0 : i32
    %c0_i32_1 = arith.constant 0 : i32
    return %get3A_0, %arg0, %c0_i32 : i32, i32, i32
  }
  func.func @transform_3(%arg0: i32, %arg1: i32, %arg2: memref<15xi32, #tpu.memory_space<smem>>, %arg3: memref<15xi32, #tpu.memory_space<smem>>, %arg4: memref<15xi32, #tpu.memory_space<smem>>, %arg5: memref<15xi32, #tpu.memory_space<smem>>) -> (i32, i32, i32) {
    %get3A = arith.index_cast %arg1 : i32 to index
    %get3A_0 = memref.load %arg3[%get3A] : memref<15xi32, #tpu.memory_space<smem>>
    %c0_i32 = arith.constant 0 : i32
    %c0_i32_1 = arith.constant 0 : i32
    return %get3A_0, %c0_i32, %arg0 : i32, i32, i32
  }
  func.func @transform_4(%arg0: i32, %arg1: i32, %arg2: memref<15xi32, #tpu.memory_space<smem>>, %arg3: memref<15xi32, #tpu.memory_space<smem>>, %arg4: memref<15xi32, #tpu.memory_space<smem>>, %arg5: memref<15xi32, #tpu.memory_space<smem>>) -> (i32, i32) {
    %c0_i32 = arith.constant 0 : i32
    %c0_i32_0 = arith.constant 0 : i32
    %c0_i32_1 = arith.constant 0 : i32
    return %c0_i32, %c0_i32_0 : i32, i32
  }
}

</mosaic_0001>

<sc_bundles>
// kernel: kernel.6.cloned.1.call-start
scs
__scs_entry_jumppad:
0x0: {  	(pc) =	sbr.rel $0x88, $3  }
0x1: {  	(tag) =	ssettag $0x0;
	lr =	simm.s32 $0x1  }
0x2: {  	[smem:$0x3F9B] =	sst lr;
	_ =	strace $0xD0000000  }
0x3: {  	_ = 	snop  }
0x4: {  	_ = 	snop  }
0x5: {  	_ = 	snop  }
0x6: {  	_ = 	snop  }
0x7: {  	_ = 	snop  }
__scs_overlays_trampoline_lowered:
0x8: {  	[smem:$0x3FAA] =	sst s0  }
0x9: {  	[smem:$0x3FAB] =	sst s1  }
0xa: {  	[smem:$0x3FAC] =	sst s2  }
0xb: {  	[smem:$0x3FAD] =	sst s3  }
0xc: {  	[smem:$0x3FAE] =	sst s4  }
0xd: {  	[smem:$0x3FAF] =	sst s5  }
0xe: {  	[smem:$0x3FB0] =	sst s6  }
0xf: {  	[smem:$0x3FB1] =	sst s7  }
0x10: {  	[smem:$0x3FB2] =	sst s8  }
0x11: {  	[smem:$0x3FB3] =	sst s9;
	s0 =	simm.s32 @!p0 $0x0  }
0x12: {  	s1 =	sld [smem:$0x3F99];
	s0 =	simm.s32 @p0 $0x1  }
0x13: {  	[smem:$0x3FB4] =	sst s0;
	s0 =	simm.s32 @!p1 $0x0  }
0x14: {  	s2 =	sld [smem:$0x3F98];
	s0 =	simm.s32 @p1 $0x1  }
0x15: {  	[smem:$0x3FB5] =	sst s0;
	s0 =	simm.s32 @!p2 $0x0  }
0x16: {  	s3 =	sld [smem:$0x3FDB];
	s0 =	simm.s32 @p2 $0x1  }
0x17: {  	s4 =	simm.s32 $0x1BF5;
	[smem:$0x3FB7] =	sst s0  }
0x18: {  	s0 =	sld [smem:$0x3F9A];
	_ =	swait.ge [sflag:s4], $0x0  }
0x19: {  	s7 =	sld [smem:$0x3F9B]  }
0x1a: {  	s8 =	sadd.s32 $0xFFFFE003, lr  }
0x1b: {  	s9 =	sadd.s32 $0xFFFFFEF7, lr;
	s5 =	simm.s32 $0xFFFFFFFF;
	p2 =	slt.u32 s8, $0xFFFFF086  }
0x1c: {  	p1 =	slt.u32 s9, $0xF7A;
	s5 =	simm.s32 @!p2 $0x0  }
0x1d: {  	s5 =	simm.s32 @p1 $0x1;
	p0 =	seq.s32 s7, s2  }
0x1e: {  	s7 =	smul.u32 @!p0 $0xF7A, s2;
	p2 =	seq.s32 @!p0 s5, $0x0  }
0x1f: {  	s9 =	smul.u32 $0xF7A, s1;
	s8 =	simm.s32 @!p0 $0x1BF5;
	p2 =	por !p2, p0  }
0x20: {  	[sflag:s8] =	ssyncset.s32 @!p0 $0xFFFFF086;
	s6 =	sadd.s32 @!p0 s3, s7;
	s7 =	simm.s32 @!p0 $0x108  }
0x21: {  	s3 =	sadd.s32 s3, s9;
	s6 =	sadd.s32 @!p0 $0x88, s6;
	s7 =	simm.s32 @p2 $0x1082  }
0x22: {  	[simem:s7], [sflag:s8] =	dma.local @!p0 [hbm:s6], $0xF7A  }
0x23: {  	s9 =	sor.u32 $0xD0000000, s2;
	s6 =	simm.s32 $0x108;
	_ =	swait.ge @!p0 [sflag:s8], $0x0  }
0x24: {  	s3 =	sadd.s32 $0x88, s3;
	s6 =	simm.s32 @!p1 $0x1082;
	[sflag:s4] =	ssyncset.s32 $0xFFFFF086  }
0x25: {  	[simem:s6], [sflag:s4] =	dma.local [hbm:s3], $0xF7A  }
0x26: {  	[smem:$0x3F9B] =	sst s1;
	(tag) =	ssettag s2;
	_ =	strace s9  }
0x27: {  	s1 =	sld [smem:$0x3FAB]  }
0x28: {  	s2 =	sld [smem:$0x3FAC]  }
0x29: {  	s4 =	sld [smem:$0x3FAE]  }
0x2a: {  	p0 =	seq.s32 s5, $0x0;
	s5 =	sld [smem:$0x3FAF]  }
0x2b: {  	s6 =	sld [smem:$0x3FB0]  }
0x2c: {  	s7 =	sld [smem:$0x3FB1]  }
0x2d: {  	s3 =	simm.s32 $0x108;
	s8 =	sld [smem:$0x3FB2]  }
0x2e: {  	s3 =	simm.s32 @!p0 $0x1082;
	s9 =	sld [smem:$0x3FB3]  }
0x2f: {  	lr =	sadd.s32 s0, s3;
	s0 =	sld [smem:$0x3FAA]  }
0x30: {  	s3 =	sld [smem:$0x3FAD]  }
0x31: {  	[smem:$0x3FB6] =	sst s10  }
0x32: {  	s10 =	sld [smem:$0x3FB4];
	_ =	sdelay $0x3  }
0x33: {  	p0 =	seq.s32 s10, $0x1;
	s10 =	sld [smem:$0x3FB6];
	_ =	sdelay $0x3  }
0x34: {  	[smem:$0x3FB6] =	sst s10  }
0x35: {  	s10 =	sld [smem:$0x3FB5];
	_ =	sdelay $0x3  }
0x36: {  	p1 =	seq.s32 s10, $0x1;
	s10 =	sld [smem:$0x3FB6];
	_ =	sdelay $0x3  }
0x37: {  	[smem:$0x3FB6] =	sst s10  }
0x38: {  	s10 =	sld [smem:$0x3FB7]  }
0x39: {  	_ = 	snop;
	(pc) =	sbr.ind lr, $3  }
0x3a: {  	_ = 	snop  }
0x3b: {  	_ = 	snop  }
0x3c: {  	p2 =	seq.s32 s10, $0x1;
	s10 =	sld [smem:$0x3FB6]  }
0x3d: {  	_ =	shalt  }
0x3e: {  	_ =	shalt  }
0x3f: {  	_ =	shalt  }
0x40: {  	_ =	shalt  }
0x41: {  	_ =	shalt  }
0x42: {  	_ =	shalt  }
0x43: {  	_ =	shalt  }
0x44: {  	_ =	shalt  }
0x45: {  	_ =	shalt  }
0x46: {  	_ =	shalt  }
0x47: {  	_ =	shalt  }
0x48: {  	_ =	shalt  }
0x49: {  	_ =	shalt  }
0x4a: {  	_ =	shalt  }
0x4b: {  	_ =	shalt  }
0x4c: {  	_ =	shalt  }
0x4d: {  	_ =	shalt  }
0x4e: {  	_ =	shalt  }
0x4f: {  	_ =	shalt  }
0x50: {  	_ =	shalt  }
0x51: {  	_ =	shalt  }
0x52: {  	_ =	shalt  }
0x53: {  	_ =	shalt  }
0x54: {  	_ =	shalt  }
0x55: {  	_ =	shalt  }
0x56: {  	_ =	shalt  }
0x57: {  	_ =	shalt  }
0x58: {  	_ =	shalt  }
0x59: {  	_ =	shalt  }
0x5a: {  	_ =	shalt  }
0x5b: {  	_ =	shalt  }
0x5c: {  	_ =	shalt  }
0x5d: {  	_ =	shalt  }
0x5e: {  	_ =	shalt  }
0x5f: {  	_ =	shalt  }
0x60: {  	_ =	shalt  }
0x61: {  	_ =	shalt  }
0x62: {  	_ =	shalt  }
0x63: {  	_ =	shalt  }
0x64: {  	_ =	shalt  }
0x65: {  	_ =	shalt  }
0x66: {  	_ =	shalt  }
0x67: {  	_ =	shalt  }
0x68: {  	_ =	shalt  }
0x69: {  	_ =	shalt  }
0x6a: {  	_ =	shalt  }
0x6b: {  	_ =	shalt  }
0x6c: {  	_ =	shalt  }
0x6d: {  	_ =	shalt  }
0x6e: {  	_ =	shalt  }
0x6f: {  	_ =	shalt  }
0x70: {  	_ =	shalt  }
0x71: {  	_ =	shalt  }
0x72: {  	_ =	shalt  }
0x73: {  	_ =	shalt  }
0x74: {  	_ =	shalt  }
0x75: {  	_ =	shalt  }
0x76: {  	_ =	shalt  }
0x77: {  	_ =	shalt  }
0x78: {  	_ =	shalt  }
0x79: {  	_ =	shalt  }
0x7a: {  	_ =	shalt  }
0x7b: {  	_ =	shalt  }
0x7c: {  	_ =	shalt  }
0x7d: {  	_ =	shalt  }
0x7e: {  	_ =	shalt  }
0x7f: {  	_ =	shalt  }
0x80: {  	_ =	shalt  }
0x81: {  	_ =	shalt  }
0x82: {  	_ =	shalt  }
0x83: {  	_ =	shalt  }
0x84: {  	_ =	shalt  }
0x85: {  	_ =	shalt  }
0x86: {  	_ =	shalt  }
0x87: {  	_ =	shalt  }
.Lfunc_end0:
.L_simem_size_0:
called_computation_lowered:
.L_overlay_start_0:
0x88: {  	s2 =	sld [smem:$0x3FD9]  }
0x89: {  	s3 =	sld [smem:$0x3FFE];
	_ =	sdelay $0x1  }
0x8a: {  	s1 =	srdreg.scid  }
0x8b: {  	s0 =	sand.u32 $0x1, s1  }
0x8c: {  	s17 =	sshll.u32 s0, $0xA;
	s2 =	sadd.s32 s3, s2  }
0x8d: {  	s2 =	sadd.s32 s2, s17  }
0x8e: {  	[smem:$0x3FC2] =	sst s2  }
0x8f: {  	_ = 	snop  }
0x90: {  	s2 =	sld [smem:$0x3FC9]  }
0x91: {  	s18 =	sld [smem:$0x3FD0];
	(tm) =	ssettm $0x1  }
0x92: {  	s4 =	sld [smem:$0x3FFB];
	_ =	sdelay $0x3  }
0x93: {  	_ =	strace s4  }
0x94: {  	s4 =	sld [smem:$0x3FFC];
	_ =	sdelay $0x3  }
0x95: {  	_ =	strace s4  }
0x96: {  	s4 =	sld [smem:$0x3FFD];
	_ =	sdelay $0x3  }
0x97: {  	_ =	strace s4  }
0x98: {  	_ =	strace $0x8FFFFFFF  }
0x99: {  	s19 =	sld [smem:$0x3FDB];
	_ =	sdelay $0x1  }
0x9a: {  	s5 =	simm.s32 $_scs_section_size  }
0x9b: {  	s6 =	simm.s32 $_size__tile_overlayer_lowered;
	s7 =	simm.s32 $_tile_overlayer_lowered  }
0x9c: {  	s22 =	simm.s32 $0x1BFF;
	s21 =	sshll.u32 s7, $0x1;
	s4 =	sadd.s32 s5, s19  }
0x9d: {  	s8 =	simm.s32 $0x0;
	s20 =	sshll.u32 s6, $0x1;
	s6 =	sadd.s32 s21, s4  }
0x9e: {  	[timem:s8], [sflag:s22] =	dma.local [hbm:s6], s20  }
0x9f: {  	_ =	swait.ge [sflag:s22], s20  }
0xa0: {  	s5 =	ssub.s32 $0x0, s20;
	[sflag:s22] =	ssyncset.done $0x0  }
0xa1: {  	[sflag:s22] =	ssyncadd.s32 s5;
	_ =	sdelay $0x1  }
0xa2: {  	s23 =	simm.s32 $0x1B8B  }
0xa3: {  	_ =	swait.ge [sflag:s23], $0x1  }
0xa4: {  	[sflag:s23] =	ssyncset.done $0x0  }
0xa5: {  	s25 =	simm.s32 $0x1B8E;
	s24 =	sld [smem:$0x3FFE];
	[sflag:s23] =	ssyncadd.s32 $0xFFFFFFFF  }
0xa6: {  	s26 =	simm.s32 $execute0_lowered;
	[smem:$0x3FD2] =	sst s25  }
0xa7: {  	s6 =	sshll.u32 s26, $0x1;
	_ =	strace $0x80000046;
	[dreg:$0x1] =	wrdreg $0xFFFFFFFF  }
0xa8: {  	s28 =	simm.s32 $_size_execute0_lowered;
	s4 =	sadd.s32 s4, s6;
	[dreg:$0x0] =	wrdreg $0x0  }
0xa9: {  	s6 =	sshll.u32 s28, $0x1;
	[dreg:$0x2] =	wrdreg s4  }
0xaa: {  	[dreg:$0x3] =	wrdreg s6  }
0xab: {  	[dreg:$0x4] =	wrdreg $0xC0  }
0xac: {  	_ =	task [dreg:s8], $0x5FFFF  }
0xad: {  	[dreg:$0x1] =	wrdreg $0xFFFFFFFF  }
0xae: {  	[dreg:$0x0] =	wrdreg $0x60  }
0xaf: {  	[dreg:$0x2] =	wrdreg s2  }
0xb0: {  	[dreg:$0x3] =	wrdreg s24  }
0xb1: {  	[dreg:$0x4] =	wrdreg s18  }
0xb2: {  	[dreg:$0x5] =	wrdreg $0x9  }
0xb3: {  	_ =	task.clear_ibuf [dreg:s8], $0x6FFFF;
	_ =	strace $0x90000046  }
0xb4: {  	s29 =	simm.s32 $0x9;
	_ =	strace $0x80000048  }
0xb5: {  	_ =	swait.ge [sflag:s29], $0x1  }
0xb6: {  	[sflag:s29] =	ssyncadd.s32 $0xFFFFFFFF  }
0xb7: {  	_ =	strace $0x90000048  }
0xb8: {  	_ =	sfence  }
0xb9: {  	s30 =	sld [smem:$0x0];
	_ =	sdelay $0x2  }
0xba: {  	s31 =	sshll.u32 s1, $0xD;
	s1 =	sshrl.u32 s1, $0x2  }
0xbb: {  	s3 =	sand.u32 $0x4000, s31;
	s1 =	sadd.s32 s1, s30  }
0xbc: {  	s0 =	sor.u32 s3, s0;
	s1 =	sshll.u32 s1, $0x11  }
0xbd: {  	s0 =	sor.u32 s1, s0  }
0xbe: {  	s0 =	sadd.s32 $0x8F2B, s0  }
0xbf: {  	[sflag:s0] =	ssyncadd.remote.s32 $0x1  }
0xc0: {  	_ =	sfence.sel $0xFFFF  }
0xc1: {  	[dreg:$0x0] =	wrdreg $0xFFFFFFFF;
	(pc) =	sbr.abs _section_cstart, $3  }
0xc2: {  	[dreg:$0x1] =	wrdreg $0xFFFFFFFF  }
0xc3: {  	_ =	task.clear_ibuf [dreg:s8], $0x2FFFF;
	_ =	strace $0x9FFFFFFF  }
0xc4: {  	(tm) =	ssettm $0x7FFFFFFF  }
0xc5: {  	_ =	shalt  }
tec
execute0_lowered:
.L_overlay_start_1:
0x0: {  	(tag) =	ssettag $0x1  }
0x1: {  	s4 =	rddreg [dreg:$0x0]  }
0x2: {  	s1 =	srdreg.scid;
	s5 =	rddreg [dreg:$0x1]  }
0x3: {  	s0 =	stileid.u32;
	s2 =	rddreg [dreg:$0x2];
	s17 =	simm.s32 $0x880  }
0x4: {  	s18 =	simm.s32 $0x1080;
	s19 =	simm.s32 $0x1880;
	s21 =	simm.s32 $0x2080  }
0x5: {  	s22 =	simm.s32 $0x2880;
	s23 =	simm.s32 $0x3080;
	s24 =	simm.s32 $0x3880  }
0x6: {  	s8 =	simm.s32 $0x4080;
	s25 =	simm.s32 $0x4880;
	s1 =	sand.u32 $0x1, s1  }
0x7: {  	s26 =	simm.s32 $0x5080;
	s3 =	sshll.u32 s0, $0x7;
	s6 =	sshll.u32 s1, $0x6  }
0x8: {  	s9 =	simm.s32 $0x80;
	s6 =	sor.u32 s6, s3;
	s3 =	simm.s32 $0x0  }
0x9: {  	s11 =	simm.s32 $0x6080;
	s12 =	simm.s32 $0x6880;
	[smem:$0x7FF] =	sst s3  }
0xa: {  	s13 =	simm.s32 $0x7080;
	_ =	strace $0x80000047;
	[dreg:$0x6] =	wrdreg s17  }
0xb: {  	s14 =	simm.s32 $0x7880;
	s15 =	simm.s32 $0x8080;
	[dreg:$0x7] =	wrdreg s18  }
0xc: {  	s16 =	simm.s32 $0x8880;
	s28 =	simm.s32 $0xE080;
	[dreg:$0x8] =	wrdreg s19  }
0xd: {  	s29 =	simm.s32 $0xE880;
	s30 =	simm.s32 $0xF080;
	[dreg:$0x9] =	wrdreg s21  }
0xe: {  	s31 =	simm.s32 $0xF880;
	s1 =	ssub.s32 $0x2, s1;
	[dreg:$0xa] =	wrdreg s22  }
0xf: {  	s20 =	sshrl.u32 s1, $0x1;
	s7 =	sshrl.u32 s6, $0x3;
	[dreg:$0xb] =	wrdreg s23  }
0x10: {  	s6 =	sshll.u32 s6, $0x7;
	s1 =	ssub.s32 s1, s20;
	[dreg:$0xc] =	wrdreg s24  }
0x11: {  	s20 =	simm.s32 $0xA880;
	s5 =	sadd.s32 s7, s5;
	[dreg:$0xd] =	wrdreg s8  }
0x12: {  	s4 =	sadd.s32 s4, s6;
	s6 =	sadd.s32 $0x300, s2;
	[dreg:$0xe] =	wrdreg s25  }
0x13: {  	s7 =	smax.u32 s1, $0x1;
	s8 =	simm.s32 $0x2;
	[dreg:$0xf] =	wrdreg s26  }
0x14: {  	s17 =	simm.s32 $0x9080;
	s18 =	simm.s32 $0x9880;
	s19 =	simm.s32 $0xA080  }
0x15: {  	s21 =	simm.s32 $0xB080;
	s22 =	simm.s32 $0xB880;
	s23 =	simm.s32 $0xC080  }
0x16: {  	v2 =	vlaneseq.u32;
	s24 =	simm.s32 $0xC880;
	s25 =	simm.s32 $0xD080;
	s26 =	simm.s32 $0xD880  }
0x17: {  	vm0 =	vmmov $0xffff;
	v1 =	vshrl.u32 v2, $0x3;
	s1 =	simm.s32 $0x1;
	s5 =	sadd.s32 $0xC00, s5;
	[dreg:$0x5] =	wrdreg s4  }
0x18: {  	v0 =	vand.u32 $0x7, v2;
	v2 =	vor.u32 $0x8, v2;
	v1 =	vmul.u32 $0x8, v1;
	s4 =	sadd.s32 $0x100, s2;
	[dreg:$0x4] =	wrdreg s5;
	s5 =	sadd.s32 $0x200, s2  }
.LBB2_1:
0x19: {  	s0 =	rddreg [dreg:$0x4]  }
0x1a: {  	[tilespmem:s3], [sflag:$0x2] =	stream.linear.gather [hbm4b:s0+s3], $0x40, $0x38;
	[tilespmem:$0x10080] =	vst v63  }
0x1b: {  	_ =	swait.ge [sflag:s8], $0x40  }
0x1c: {  	[sflag:s8] =	ssyncset.done $0x0  }
0x1d: {  	s10 =	rddreg [dreg:$0x5];
	[sflag:s8] =	ssyncadd.s32 $0xFFFFFFC0  }
0x1e: {  	[tilespmem:s9], [sflag:$0x2] =	stream.linear.gather [hbm4b:s10+s3], $0x10000, $0x38;
	[tilespmem:$0x10080] =	vst v63  }
0x1f: {  	_ =	swait.ge [sflag:s8], $0x10000  }
0x20: {  	[sflag:s8] =	ssyncset.done $0x0  }
0x21: {  	[sflag:s8] =	ssyncadd.s32 $0xFFFF0000  }
0x22: {  	v3 =	vld [tilespmem:$0x0];
	_ =	sdelay $0x4  }
0x23: {  	v4 =	vshll.u32 v3, $0x3  }
0x24: {  	v3 =	vand.u32 $0x7, v3;
	v4 =	vand.u32 $0xFFFFFFC0, v4  }
0x25: {  	v3 =	vor.u32 v3, v4  }
0x26: {  	v4 =	vperm.xlane v3, v0;
	_ =	sdelay $0x1  }
0x27: {  	v4 =	vadd.s32 v1, v4;
	_ =	sdelay $0x4  }
0x28: {  	[hbm4b:s2+s3] =	stream.indirect_vreg.scatter [tilespmem:s9], [sflag:$0x1], $0x80, v4, vm0, $0xb8;
	[tilespmem:$0x10080] =	vst v63  }
0x29: {  	s0 =	rddreg [dreg:$0x6];
	v3 =	vperm.xlane v3, v2  }
0x2a: {  	[hbm4b:s4+s3] =	stream.indirect_vreg.scatter [tilespmem:s0], [sflag:$0x1], $0x80, v4, vm0, $0xb8;
	[tilespmem:$0x10080] =	vst v63  }
0x2b: {  	s10 =	rddreg [dreg:$0x7];
	v3 =	vadd.s32 v1, v3  }
0x2c: {  	[hbm4b:s5+s3] =	stream.indirect_vreg.scatter [tilespmem:s10], [sflag:$0x1], $0x80, v4, vm0, $0xb8;
	[tilespmem:$0x10080] =	vst v63  }
0x2d: {  	s0 =	rddreg [dreg:$0x8]  }
0x2e: {  	[hbm4b:s6+s3] =	stream.indirect_vreg.scatter [tilespmem:s0], [sflag:$0x1], $0x80, v4, vm0, $0xb8;
	[tilespmem:$0x10080] =	vst v63  }
0x2f: {  	s10 =	rddreg [dreg:$0x9]  }
0x30: {  	[hbm4b:s2+s3] =	stream.indirect_vreg.scatter [tilespmem:s10], [sflag:$0x1], $0x80, v3, vm0, $0xb8;
	[tilespmem:$0x10080] =	vst v63  }
0x31: {  	s0 =	rddreg [dreg:$0xa]  }
0x32: {  	[hbm4b:s4+s3] =	stream.indirect_vreg.scatter [tilespmem:s0], [sflag:$0x1], $0x80, v3, vm0, $0xb8;
	[tilespmem:$0x10080] =	vst v63  }
0x33: {  	s10 =	rddreg [dreg:$0xb]  }
0x34: {  	[hbm4b:s5+s3] =	stream.indirect_vreg.scatter [tilespmem:s10], [sflag:$0x1], $0x80, v3, vm0, $0xb8;
	[tilespmem:$0x10080] =	vst v63  }
0x35: {  	s0 =	rddreg [dreg:$0xc]  }
0x36: {  	[hbm4b:s6+s3] =	stream.indirect_vreg.scatter [tilespmem:s0], [sflag:$0x1], $0x80, v3, vm0, $0xb8;
	[tilespmem:$0x10080] =	vst v63  }
0x37: {  	v3 =	vld [tilespmem:$0x10];
	_ =	sdelay $0x4  }
0x38: {  	v61 =	vshll.u32 v3, $0x3  }
0x39: {  	v3 =	vand.u32 $0x7, v3;
	v4 =	vand.u32 $0xFFFFFFC0, v61  }
0x3a: {  	v3 =	vor.u32 v3, v4  }
0x3b: {  	v4 =	vperm.xlane v3, v0;
	_ =	sdelay $0x1  }
0x3c: {  	v4 =	vadd.s32 v1, v4;
	_ =	sdelay $0x3  }
0x3d: {  	s0 =	rddreg [dreg:$0xd]  }
0x3e: {  	[hbm4b:s2+s3] =	stream.indirect_vreg.scatter [tilespmem:s0], [sflag:$0x1], $0x80, v4, vm0, $0xb8;
	[tilespmem:$0x10080] =	vst v63  }
0x3f: {  	s10 =	rddreg [dreg:$0xe];
	v3 =	vperm.xlane v3, v2  }
0x40: {  	[hbm4b:s4+s3] =	stream.indirect_vreg.scatter [tilespmem:s10], [sflag:$0x1], $0x80, v4, vm0, $0xb8;
	[tilespmem:$0x10080] =	vst v63  }
0x41: {  	v3 =	vadd.s32 v1, v3;
	s0 =	rddreg [dreg:$0xf]  }
0x42: {  	[hbm4b:s5+s3] =	stream.indirect_vreg.scatter [tilespmem:s0], [sflag:$0x1], $0x80, v4, vm0, $0xb8;
	[tilespmem:$0x10080] =	vst v63  }
0x43: {  	s10 =	simm.s32 $0x5880  }
0x44: {  	[hbm4b:s6+s3] =	stream.indirect_vreg.scatter [tilespmem:s10], [sflag:$0x1], $0x80, v4, vm0, $0xb8;
	[tilespmem:$0x10080] =	vst v63  }
0x45: {  	_ = 	snop  }
0x46: {  	[hbm4b:s2+s3] =	stream.indirect_vreg.scatter [tilespmem:s11], [sflag:$0x1], $0x80, v3, vm0, $0xb8;
	[tilespmem:$0x10080] =	vst v63  }
0x47: {  	_ = 	snop  }
0x48: {  	[hbm4b:s4+s3] =	stream.indirect_vreg.scatter [tilespmem:s12], [sflag:$0x1], $0x80, v3, vm0, $0xb8;
	[tilespmem:$0x10080] =	vst v63  }
0x49: {  	_ = 	snop  }
0x4a: {  	[hbm4b:s5+s3] =	stream.indirect_vreg.scatter [tilespmem:s13], [sflag:$0x1], $0x80, v3, vm0, $0xb8;
	[tilespmem:$0x10080] =	vst v63  }
0x4b: {  	_ = 	snop  }
0x4c: {  	[hbm4b:s6+s3] =	stream.indirect_vreg.scatter [tilespmem:s14], [sflag:$0x1], $0x80, v3, vm0, $0xb8;
	[tilespmem:$0x10080] =	vst v63  }
0x4d: {  	v3 =	vld [tilespmem:$0x20];
	_ =	sdelay $0x4  }
0x4e: {  	v62 =	vshll.u32 v3, $0x3  }
0x4f: {  	v3 =	vand.u32 $0x7, v3;
	v4 =	vand.u32 $0xFFFFFFC0, v62  }
0x50: {  	v3 =	vor.u32 v3, v4  }
0x51: {  	v4 =	vperm.xlane v3, v0;
	_ =	sdelay $0x1  }
0x52: {  	v4 =	vadd.s32 v1, v4;
	_ =	sdelay $0x4  }
0x53: {  	[hbm4b:s2+s3] =	stream.indirect_vreg.scatter [tilespmem:s15], [sflag:$0x1], $0x80, v4, vm0, $0xb8;
	[tilespmem:$0x10080] =	vst v63  }
0x54: {  	v3 =	vperm.xlane v3, v2  }
0x55: {  	[hbm4b:s4+s3] =	stream.indirect_vreg.scatter [tilespmem:s16], [sflag:$0x1], $0x80, v4, vm0, $0xb8;
	[tilespmem:$0x10080] =	vst v63  }
0x56: {  	v3 =	vadd.s32 v1, v3  }
0x57: {  	[hbm4b:s5+s3] =	stream.indirect_vreg.scatter [tilespmem:s17], [sflag:$0x1], $0x80, v4, vm0, $0xb8;
	[tilespmem:$0x10080] =	vst v63  }
0x58: {  	_ = 	snop  }
0x59: {  	[hbm4b:s6+s3] =	stream.indirect_vreg.scatter [tilespmem:s18], [sflag:$0x1], $0x80, v4, vm0, $0xb8;
	[tilespmem:$0x10080] =	vst v63  }
0x5a: {  	_ = 	snop  }
0x5b: {  	[hbm4b:s2+s3] =	stream.indirect_vreg.scatter [tilespmem:s19], [sflag:$0x1], $0x80, v3, vm0, $0xb8;
	[tilespmem:$0x10080] =	vst v63  }
0x5c: {  	_ = 	snop  }
0x5d: {  	[hbm4b:s4+s3] =	stream.indirect_vreg.scatter [tilespmem:s20], [sflag:$0x1], $0x80, v3, vm0, $0xb8;
	[tilespmem:$0x10080] =	vst v63  }
0x5e: {  	_ = 	snop  }
0x5f: {  	[hbm4b:s5+s3] =	stream.indirect_vreg.scatter [tilespmem:s21], [sflag:$0x1], $0x80, v3, vm0, $0xb8;
	[tilespmem:$0x10080] =	vst v63  }
0x60: {  	_ = 	snop  }
0x61: {  	[hbm4b:s6+s3] =	stream.indirect_vreg.scatter [tilespmem:s22], [sflag:$0x1], $0x80, v3, vm0, $0xb8;
	[tilespmem:$0x10080] =	vst v63  }
0x62: {  	v3 =	vld [tilespmem:$0x30];
	_ =	sdelay $0x4  }
0x63: {  	v63 =	vshll.u32 v3, $0x3  }
0x64: {  	v3 =	vand.u32 $0x7, v3;
	v4 =	vand.u32 $0xFFFFFFC0, v63  }
0x65: {  	v3 =	vor.u32 v3, v4  }
0x66: {  	v4 =	vperm.xlane v3, v0;
	_ =	sdelay $0x1  }
0x67: {  	v4 =	vadd.s32 v1, v4;
	_ =	sdelay $0x4  }
0x68: {  	[hbm4b:s2+s3] =	stream.indirect_vreg.scatter [tilespmem:s23], [sflag:$0x1], $0x80, v4, vm0, $0xb8;
	[tilespmem:$0x10080] =	vst v63  }
0x69: {  	v3 =	vperm.xlane v3, v2  }
0x6a: {  	[hbm4b:s4+s3] =	stream.indirect_vreg.scatter [tilespmem:s24], [sflag:$0x1], $0x80, v4, vm0, $0xb8;
	[tilespmem:$0x10080] =	vst v63  }
0x6b: {  	v3 =	vadd.s32 v1, v3  }
0x6c: {  	[hbm4b:s5+s3] =	stream.indirect_vreg.scatter [tilespmem:s25], [sflag:$0x1], $0x80, v4, vm0, $0xb8;
	[tilespmem:$0x10080] =	vst v63  }
0x6d: {  	_ = 	snop  }
0x6e: {  	[hbm4b:s6+s3] =	stream.indirect_vreg.scatter [tilespmem:s26], [sflag:$0x1], $0x80, v4, vm0, $0xb8;
	[tilespmem:$0x10080] =	vst v63  }
0x6f: {  	_ = 	snop  }
0x70: {  	[hbm4b:s2+s3] =	stream.indirect_vreg.scatter [tilespmem:s28], [sflag:$0x1], $0x80, v3, vm0, $0xb8;
	[tilespmem:$0x10080] =	vst v63  }
0x71: {  	_ = 	snop  }
0x72: {  	[hbm4b:s4+s3] =	stream.indirect_vreg.scatter [tilespmem:s29], [sflag:$0x1], $0x80, v3, vm0, $0xb8;
	[tilespmem:$0x10080] =	vst v63  }
0x73: {  	p0 =	sne.s32 s7, $0x1  }
0x74: {  	[hbm4b:s5+s3] =	stream.indirect_vreg.scatter [tilespmem:s30], [sflag:$0x1], $0x80, v3, vm0, $0xb8;
	[tilespmem:$0x10080] =	vst v63  }
.Ltmp0:
0x75: {  	_ = 	snop;
	(pc) =	sbr.rel @p0 .LBB2_1-.Ltmp0, $4  }
0x76: {  	[hbm4b:s6+s3] =	stream.indirect_vreg.scatter [tilespmem:s31], [sflag:$0x1], $0x80, v3, vm0, $0xb8;
	[tilespmem:$0x10080] =	vst v63  }
0x77: {  	_ =	swait.ge [sflag:s1], $0x10000  }
0x78: {  	[sflag:s1] =	ssyncset.done $0x0  }
0x79: {  	s7 =	sadd.s32 $0xFFFFFFFF, s7;
	[sflag:s1] =	ssyncadd.s32 $0xFFFF0000  }
0x7a: {  	_ =	sfence.sel $0x180000  }
0x7b: {  	[bflag:$0x0] =	sbarrier.arrive $0xFFFF  }
0x7c: {  	_ =	strace $0x90000047  }
0x7d: {  	s0 =	stileid.u32;
	[bflag:$0x2] =	sbarrier.arrive $0xFFFF  }
0x7e: {  	p0 =	sne.s32 s0, $0x0;
	s0 =	rddreg [dreg:$0x3]  }
0x7f: {  	s0 =	sadd.s32 @!p0 $0x100000, s0  }
0x80: {  	[sflag:s0] =	ssyncadd.tile.s32 @!p0 $0x1;
	_ =	shalt  }
.Lfunc_end2:
_tile_overlayer_lowered:
.L_overlay_start_2:
0x81: {  	(tag) =	ssettag $0x2  }
0x82: {  	s0 =	rddreg [dreg:$0x0];
	s2 =	stileid.u32  }
0x83: {  	s1 =	rddreg [dreg:$0x1];
	p0 =	sne.s32 s2, $0x0  }
0x84: {  	s3 =	rddreg [dreg:$0x2];
	[bflag:$0x3] =	sbarrier.arrive $0xFFFF;
	s2 =	simm.s32 @!p0 $0x1C02  }
0x85: {  	[timem:s3], [sflag:s2] =	dma.local @!p0 [hbm:s0], s1  }
0x86: {  	s0 =	simm.s32 @!p0 $0x2  }
0x87: {  	_ =	swait.ge @!p0 [sflag:s0], s1  }
0x88: {  	s1 =	ssub.s32 @!p0 $0x0, s1;
	[sflag:s0] =	ssyncset.done @!p0 $0x0  }
0x89: {  	[sflag:s0] =	ssyncadd.s32 @!p0 s1  }
0x8a: {  	[bflag:$0x3] =	sbarrier.arrive $0xFFFF  }
0x8b: {  	_ =	shalt  }

// kernel: kernel.9.cloned.1.call-start
scs
__scs_entry_jumppad:
0x0: {  	(pc) =	sbr.rel $0x88, $3  }
0x1: {  	(tag) =	ssettag $0x0;
	lr =	simm.s32 $0x1  }
0x2: {  	[smem:$0x3F9B] =	sst lr;
	_ =	strace $0xD0000000  }
0x3: {  	_ = 	snop  }
0x4: {  	_ = 	snop  }
0x5: {  	_ = 	snop  }
0x6: {  	_ = 	snop  }
0x7: {  	_ = 	snop  }
__scs_overlays_trampoline_lowered:
0x8: {  	[smem:$0x3FAA] =	sst s0  }
0x9: {  	[smem:$0x3FAB] =	sst s1  }
0xa: {  	[smem:$0x3FAC] =	sst s2  }
0xb: {  	[smem:$0x3FAD] =	sst s3  }
0xc: {  	[smem:$0x3FAE] =	sst s4  }
0xd: {  	[smem:$0x3FAF] =	sst s5  }
0xe: {  	[smem:$0x3FB0] =	sst s6  }
0xf: {  	[smem:$0x3FB1] =	sst s7  }
0x10: {  	[smem:$0x3FB2] =	sst s8  }
0x11: {  	[smem:$0x3FB3] =	sst s9;
	s0 =	simm.s32 @!p0 $0x0  }
0x12: {  	s1 =	sld [smem:$0x3F99];
	s0 =	simm.s32 @p0 $0x1  }
0x13: {  	[smem:$0x3FB4] =	sst s0;
	s0 =	simm.s32 @!p1 $0x0  }
0x14: {  	s2 =	sld [smem:$0x3F98];
	s0 =	simm.s32 @p1 $0x1  }
0x15: {  	[smem:$0x3FB5] =	sst s0;
	s0 =	simm.s32 @!p2 $0x0  }
0x16: {  	s3 =	sld [smem:$0x3FDB];
	s0 =	simm.s32 @p2 $0x1  }
0x17: {  	s4 =	simm.s32 $0x1BF5;
	[smem:$0x3FB7] =	sst s0  }
0x18: {  	s0 =	sld [smem:$0x3F9A];
	_ =	swait.ge [sflag:s4], $0x0  }
0x19: {  	s7 =	sld [smem:$0x3F9B]  }
0x1a: {  	s8 =	sadd.s32 $0xFFFFE003, lr  }
0x1b: {  	s9 =	sadd.s32 $0xFFFFFEF7, lr;
	s5 =	simm.s32 $0xFFFFFFFF;
	p2 =	slt.u32 s8, $0xFFFFF086  }
0x1c: {  	p1 =	slt.u32 s9, $0xF7A;
	s5 =	simm.s32 @!p2 $0x0  }
0x1d: {  	s5 =	simm.s32 @p1 $0x1;
	p0 =	seq.s32 s7, s2  }
0x1e: {  	s7 =	smul.u32 @!p0 $0xF7A, s2;
	p2 =	seq.s32 @!p0 s5, $0x0  }
0x1f: {  	s9 =	smul.u32 $0xF7A, s1;
	s8 =	simm.s32 @!p0 $0x1BF5;
	p2 =	por !p2, p0  }
0x20: {  	[sflag:s8] =	ssyncset.s32 @!p0 $0xFFFFF086;
	s6 =	sadd.s32 @!p0 s3, s7;
	s7 =	simm.s32 @!p0 $0x108  }
0x21: {  	s3 =	sadd.s32 s3, s9;
	s6 =	sadd.s32 @!p0 $0x88, s6;
	s7 =	simm.s32 @p2 $0x1082  }
0x22: {  	[simem:s7], [sflag:s8] =	dma.local @!p0 [hbm:s6], $0xF7A  }
0x23: {  	s9 =	sor.u32 $0xD0000000, s2;
	s6 =	simm.s32 $0x108;
	_ =	swait.ge @!p0 [sflag:s8], $0x0  }
0x24: {  	s3 =	sadd.s32 $0x88, s3;
	s6 =	simm.s32 @!p1 $0x1082;
	[sflag:s4] =	ssyncset.s32 $0xFFFFF086  }
0x25: {  	[simem:s6], [sflag:s4] =	dma.local [hbm:s3], $0xF7A  }
0x26: {  	[smem:$0x3F9B] =	sst s1;
	(tag) =	ssettag s2;
	_ =	strace s9  }
0x27: {  	s1 =	sld [smem:$0x3FAB]  }
0x28: {  	s2 =	sld [smem:$0x3FAC]  }
0x29: {  	s4 =	sld [smem:$0x3FAE]  }
0x2a: {  	p0 =	seq.s32 s5, $0x0;
	s5 =	sld [smem:$0x3FAF]  }
0x2b: {  	s6 =	sld [smem:$0x3FB0]  }
0x2c: {  	s7 =	sld [smem:$0x3FB1]  }
0x2d: {  	s3 =	simm.s32 $0x108;
	s8 =	sld [smem:$0x3FB2]  }
0x2e: {  	s3 =	simm.s32 @!p0 $0x1082;
	s9 =	sld [smem:$0x3FB3]  }
0x2f: {  	lr =	sadd.s32 s0, s3;
	s0 =	sld [smem:$0x3FAA]  }
0x30: {  	s3 =	sld [smem:$0x3FAD]  }
0x31: {  	[smem:$0x3FB6] =	sst s10  }
0x32: {  	s10 =	sld [smem:$0x3FB4];
	_ =	sdelay $0x3  }
0x33: {  	p0 =	seq.s32 s10, $0x1;
	s10 =	sld [smem:$0x3FB6];
	_ =	sdelay $0x3  }
0x34: {  	[smem:$0x3FB6] =	sst s10  }
0x35: {  	s10 =	sld [smem:$0x3FB5];
	_ =	sdelay $0x3  }
0x36: {  	p1 =	seq.s32 s10, $0x1;
	s10 =	sld [smem:$0x3FB6];
	_ =	sdelay $0x3  }
0x37: {  	[smem:$0x3FB6] =	sst s10  }
0x38: {  	s10 =	sld [smem:$0x3FB7]  }
0x39: {  	_ = 	snop;
	(pc) =	sbr.ind lr, $3  }
0x3a: {  	_ = 	snop  }
0x3b: {  	_ = 	snop  }
0x3c: {  	p2 =	seq.s32 s10, $0x1;
	s10 =	sld [smem:$0x3FB6]  }
0x3d: {  	_ =	shalt  }
0x3e: {  	_ =	shalt  }
0x3f: {  	_ =	shalt  }
0x40: {  	_ =	shalt  }
0x41: {  	_ =	shalt  }
0x42: {  	_ =	shalt  }
0x43: {  	_ =	shalt  }
0x44: {  	_ =	shalt  }
0x45: {  	_ =	shalt  }
0x46: {  	_ =	shalt  }
0x47: {  	_ =	shalt  }
0x48: {  	_ =	shalt  }
0x49: {  	_ =	shalt  }
0x4a: {  	_ =	shalt  }
0x4b: {  	_ =	shalt  }
0x4c: {  	_ =	shalt  }
0x4d: {  	_ =	shalt  }
0x4e: {  	_ =	shalt  }
0x4f: {  	_ =	shalt  }
0x50: {  	_ =	shalt  }
0x51: {  	_ =	shalt  }
0x52: {  	_ =	shalt  }
0x53: {  	_ =	shalt  }
0x54: {  	_ =	shalt  }
0x55: {  	_ =	shalt  }
0x56: {  	_ =	shalt  }
0x57: {  	_ =	shalt  }
0x58: {  	_ =	shalt  }
0x59: {  	_ =	shalt  }
0x5a: {  	_ =	shalt  }
0x5b: {  	_ =	shalt  }
0x5c: {  	_ =	shalt  }
0x5d: {  	_ =	shalt  }
0x5e: {  	_ =	shalt  }
0x5f: {  	_ =	shalt  }
0x60: {  	_ =	shalt  }
0x61: {  	_ =	shalt  }
0x62: {  	_ =	shalt  }
0x63: {  	_ =	shalt  }
0x64: {  	_ =	shalt  }
0x65: {  	_ =	shalt  }
0x66: {  	_ =	shalt  }
0x67: {  	_ =	shalt  }
0x68: {  	_ =	shalt  }
0x69: {  	_ =	shalt  }
0x6a: {  	_ =	shalt  }
0x6b: {  	_ =	shalt  }
0x6c: {  	_ =	shalt  }
0x6d: {  	_ =	shalt  }
0x6e: {  	_ =	shalt  }
0x6f: {  	_ =	shalt  }
0x70: {  	_ =	shalt  }
0x71: {  	_ =	shalt  }
0x72: {  	_ =	shalt  }
0x73: {  	_ =	shalt  }
0x74: {  	_ =	shalt  }
0x75: {  	_ =	shalt  }
0x76: {  	_ =	shalt  }
0x77: {  	_ =	shalt  }
0x78: {  	_ =	shalt  }
0x79: {  	_ =	shalt  }
0x7a: {  	_ =	shalt  }
0x7b: {  	_ =	shalt  }
0x7c: {  	_ =	shalt  }
0x7d: {  	_ =	shalt  }
0x7e: {  	_ =	shalt  }
0x7f: {  	_ =	shalt  }
0x80: {  	_ =	shalt  }
0x81: {  	_ =	shalt  }
0x82: {  	_ =	shalt  }
0x83: {  	_ =	shalt  }
0x84: {  	_ =	shalt  }
0x85: {  	_ =	shalt  }
0x86: {  	_ =	shalt  }
0x87: {  	_ =	shalt  }
.Lfunc_end0:
.L_simem_size_0:
called_computation.1_lowered:
.L_overlay_start_0:
0x88: {  	s2 =	sld [smem:$0x3FD9]  }
0x89: {  	s3 =	sld [smem:$0x3FFE];
	_ =	sdelay $0x1  }
0x8a: {  	s1 =	srdreg.scid  }
0x8b: {  	s0 =	sand.u32 $0x1, s1  }
0x8c: {  	s17 =	sshll.u32 s0, $0xA;
	s2 =	sadd.s32 s3, s2  }
0x8d: {  	s2 =	sadd.s32 s2, s17  }
0x8e: {  	[smem:$0x3FC2] =	sst s2  }
0x8f: {  	_ = 	snop  }
0x90: {  	s2 =	sld [smem:$0x3FD0];
	(tm) =	ssettm $0x1  }
0x91: {  	s18 =	sld [smem:$0x3FFB];
	_ =	sdelay $0x3  }
0x92: {  	_ =	strace s18  }
0x93: {  	s3 =	sld [smem:$0x3FFC];
	_ =	sdelay $0x3  }
0x94: {  	_ =	strace s3  }
0x95: {  	s3 =	sld [smem:$0x3FFD];
	_ =	sdelay $0x3  }
0x96: {  	_ =	strace s3  }
0x97: {  	_ =	strace $0x8FFFFFFF  }
0x98: {  	s19 =	sld [smem:$0x3FDB];
	_ =	sdelay $0x1  }
0x99: {  	s4 =	simm.s32 $_scs_section_size  }
0x9a: {  	s5 =	simm.s32 $_size__tile_overlayer_lowered;
	s6 =	simm.s32 $_tile_overlayer_lowered  }
0x9b: {  	s22 =	simm.s32 $0x1BFF;
	s21 =	sshll.u32 s6, $0x1;
	s3 =	sadd.s32 s4, s19  }
0x9c: {  	s7 =	simm.s32 $0x0;
	s20 =	sshll.u32 s5, $0x1;
	s5 =	sadd.s32 s21, s3  }
0x9d: {  	[timem:s7], [sflag:s22] =	dma.local [hbm:s5], s20  }
0x9e: {  	_ =	swait.ge [sflag:s22], s20  }
0x9f: {  	s4 =	ssub.s32 $0x0, s20;
	[sflag:s22] =	ssyncset.done $0x0  }
0xa0: {  	[sflag:s22] =	ssyncadd.s32 s4;
	_ =	sdelay $0x1  }
0xa1: {  	s23 =	simm.s32 $0x1B8B  }
0xa2: {  	_ =	swait.ge [sflag:s23], $0x1  }
0xa3: {  	[sflag:s23] =	ssyncset.done $0x0  }
0xa4: {  	s25 =	simm.s32 $0x1B8E;
	s24 =	sld [smem:$0x3FFE];
	[sflag:s23] =	ssyncadd.s32 $0xFFFFFFFF  }
0xa5: {  	s26 =	simm.s32 $execute0_lowered;
	[smem:$0x3FD2] =	sst s25  }
0xa6: {  	s5 =	sshll.u32 s26, $0x1;
	_ =	strace $0x80000049;
	[dreg:$0x1] =	wrdreg $0xFFFFFFFF  }
0xa7: {  	s28 =	simm.s32 $_size_execute0_lowered;
	s3 =	sadd.s32 s3, s5;
	[dreg:$0x0] =	wrdreg $0x0  }
0xa8: {  	s5 =	sshll.u32 s28, $0x1;
	[dreg:$0x2] =	wrdreg s3  }
0xa9: {  	[dreg:$0x3] =	wrdreg s5  }
0xaa: {  	[dreg:$0x4] =	wrdreg $0xC0  }
0xab: {  	_ =	task [dreg:s7], $0x5FFFF  }
0xac: {  	[dreg:$0x1] =	wrdreg $0xFFFFFFFF  }
0xad: {  	[dreg:$0x0] =	wrdreg $0x60  }
0xae: {  	[dreg:$0x2] =	wrdreg s24  }
0xaf: {  	[dreg:$0x3] =	wrdreg s2  }
0xb0: {  	[dreg:$0x4] =	wrdreg $0x9  }
0xb1: {  	_ =	task.clear_ibuf [dreg:s7], $0x5FFFF;
	_ =	strace $0x90000049  }
0xb2: {  	s29 =	simm.s32 $0x9;
	_ =	strace $0x8000004B  }
0xb3: {  	_ =	swait.ge [sflag:s29], $0x1  }
0xb4: {  	[sflag:s29] =	ssyncadd.s32 $0xFFFFFFFF  }
0xb5: {  	_ =	strace $0x9000004B  }
0xb6: {  	_ =	sfence  }
0xb7: {  	s30 =	sld [smem:$0x0];
	_ =	sdelay $0x2  }
0xb8: {  	s31 =	sshll.u32 s1, $0xD;
	s1 =	sshrl.u32 s1, $0x2  }
0xb9: {  	s3 =	sand.u32 $0x4000, s31;
	s1 =	sadd.s32 s1, s30  }
0xba: {  	s0 =	sor.u32 s3, s0;
	s1 =	sshll.u32 s1, $0x11  }
0xbb: {  	s0 =	sor.u32 s1, s0  }
0xbc: {  	s0 =	sadd.s32 $0x8F2B, s0  }
0xbd: {  	[sflag:s0] =	ssyncadd.remote.s32 $0x1  }
0xbe: {  	_ =	sfence.sel $0xFFFF  }
0xbf: {  	[dreg:$0x0] =	wrdreg $0xFFFFFFFF;
	(pc) =	sbr.abs _section_cstart, $3  }
0xc0: {  	[dreg:$0x1] =	wrdreg $0xFFFFFFFF  }
0xc1: {  	_ =	task.clear_ibuf [dreg:s7], $0x2FFFF;
	_ =	strace $0x9FFFFFFF  }
0xc2: {  	(tm) =	ssettm $0x7FFFFFFF  }
0xc3: {  	_ =	shalt  }
tec
execute0_lowered:
.L_overlay_start_1:
0x0: {  	(tag) =	ssettag $0x1  }
0x1: {  	s1 =	srdreg.scid  }
0x2: {  	s0 =	stileid.u32;
	s6 =	rddreg [dreg:$0x0]  }
0x3: {  	s4 =	rddreg [dreg:$0x1];
	s18 =	simm.s32 $0x880;
	s19 =	simm.s32 $0x1080  }
0x4: {  	s20 =	simm.s32 $0x1880;
	s22 =	simm.s32 $0x2080;
	s23 =	simm.s32 $0x2880  }
0x5: {  	s7 =	simm.s32 $0x3080;
	s24 =	simm.s32 $0x3880;
	s8 =	simm.s32 $0x4080  }
0x6: {  	s25 =	simm.s32 $0x4880;
	s26 =	simm.s32 $0x5080;
	s1 =	sand.u32 $0x1, s1  }
0x7: {  	s9 =	simm.s32 $0x80;
	s2 =	sshll.u32 s0, $0x7;
	s3 =	sshll.u32 s1, $0x6  }
0x8: {  	s11 =	simm.s32 $0x6080;
	s3 =	sor.u32 s3, s2;
	s2 =	simm.s32 $0x0  }
0x9: {  	s12 =	simm.s32 $0x6880;
	s13 =	simm.s32 $0x7080;
	[smem:$0x7FF] =	sst s2  }
0xa: {  	s14 =	simm.s32 $0x7880;
	_ =	strace $0x8000004A;
	[dreg:$0x5] =	wrdreg s18  }
0xb: {  	s15 =	simm.s32 $0x8080;
	s16 =	simm.s32 $0x8880;
	[dreg:$0x6] =	wrdreg s19  }
0xc: {  	s17 =	simm.s32 $0x9080;
	s28 =	simm.s32 $0xE080;
	[dreg:$0x7] =	wrdreg s20  }
0xd: {  	s29 =	simm.s32 $0xE880;
	s30 =	simm.s32 $0xF080;
	[dreg:$0x8] =	wrdreg s22  }
0xe: {  	s31 =	simm.s32 $0xF880;
	s1 =	ssub.s32 $0x2, s1;
	[dreg:$0x9] =	wrdreg s23  }
0xf: {  	s21 =	sshrl.u32 s1, $0x1;
	s5 =	sshrl.u32 s3, $0x3;
	[dreg:$0xa] =	wrdreg s7  }
0x10: {  	s3 =	sshll.u32 s3, $0x7;
	s1 =	ssub.s32 s1, s21;
	[dreg:$0xb] =	wrdreg s24  }
0x11: {  	s21 =	simm.s32 $0xB080;
	s5 =	sadd.s32 s5, s6;
	[dreg:$0xc] =	wrdreg s8  }
0x12: {  	s3 =	sadd.s32 s4, s3;
	s4 =	sadd.s32 $0xF00, s6;
	[dreg:$0xd] =	wrdreg s25  }
0x13: {  	s7 =	smax.u32 s1, $0x1;
	s8 =	simm.s32 $0x2;
	[dreg:$0xe] =	wrdreg s26  }
0x14: {  	s18 =	simm.s32 $0x9880;
	s19 =	simm.s32 $0xA080;
	s20 =	simm.s32 $0xA880  }
0x15: {  	s22 =	simm.s32 $0xB880;
	s23 =	simm.s32 $0xC080;
	s24 =	simm.s32 $0xC880  }
0x16: {  	v2 =	vlaneseq.u32;
	s25 =	simm.s32 $0xD080;
	s26 =	simm.s32 $0xD880;
	s1 =	simm.s32 $0x1  }
0x17: {  	vm0 =	vmmov $0xffff;
	v1 =	vshrl.u32 v2, $0x3;
	s5 =	sadd.s32 $0xC00, s5;
	[dreg:$0x4] =	wrdreg s3;
	s3 =	sadd.s32 $0xE00, s6  }
0x18: {  	v0 =	vand.u32 $0x7, v2;
	v2 =	vor.u32 $0x8, v2;
	v1 =	vmul.u32 $0x8, v1;
	[dreg:$0x3] =	wrdreg s5;
	s5 =	sadd.s32 $0x1000, s6;
	s6 =	sadd.s32 $0x1100, s6  }
.LBB2_1:
0x19: {  	s0 =	rddreg [dreg:$0x3]  }
0x1a: {  	[tilespmem:s2], [sflag:$0x2] =	stream.linear.gather [hbm4b:s0+s2], $0x40, $0x38;
	[tilespmem:$0x10080] =	vst v63  }
0x1b: {  	_ =	swait.ge [sflag:s8], $0x40  }
0x1c: {  	[sflag:s8] =	ssyncset.done $0x0  }
0x1d: {  	[sflag:s8] =	ssyncadd.s32 $0xFFFFFFC0  }
0x1e: {  	v3 =	vld [tilespmem:$0x0];
	_ =	sdelay $0x4  }
0x1f: {  	v4 =	vshll.u32 v3, $0x3  }
0x20: {  	v3 =	vand.u32 $0x7, v3;
	v4 =	vand.u32 $0xFFFFFFC0, v4  }
0x21: {  	v3 =	vor.u32 v3, v4  }
0x22: {  	v4 =	vperm.xlane v3, v0;
	_ =	sdelay $0x1  }
0x23: {  	v4 =	vadd.s32 v1, v4;
	_ =	sdelay $0x4  }
0x24: {  	[tilespmem:s9], [sflag:$0x1] =	stream.indirect_vreg.gather [hbm4b:s3+s2], $0x80, v4, vm0, $0xb8;
	[tilespmem:$0x10080] =	vst v63  }
0x25: {  	s0 =	rddreg [dreg:$0x5];
	v3 =	vperm.xlane v3, v2  }
0x26: {  	[tilespmem:s0], [sflag:$0x1] =	stream.indirect_vreg.gather [hbm4b:s4+s2], $0x80, v4, vm0, $0xb8;
	[tilespmem:$0x10080] =	vst v63  }
0x27: {  	s10 =	rddreg [dreg:$0x6];
	v3 =	vadd.s32 v1, v3  }
0x28: {  	[tilespmem:s10], [sflag:$0x1] =	stream.indirect_vreg.gather [hbm4b:s5+s2], $0x80, v4, vm0, $0xb8;
	[tilespmem:$0x10080] =	vst v63  }
0x29: {  	s0 =	rddreg [dreg:$0x7]  }
0x2a: {  	[tilespmem:s0], [sflag:$0x1] =	stream.indirect_vreg.gather [hbm4b:s6+s2], $0x80, v4, vm0, $0xb8;
	[tilespmem:$0x10080] =	vst v63  }
0x2b: {  	s10 =	rddreg [dreg:$0x8]  }
0x2c: {  	[tilespmem:s10], [sflag:$0x1] =	stream.indirect_vreg.gather [hbm4b:s3+s2], $0x80, v3, vm0, $0xb8;
	[tilespmem:$0x10080] =	vst v63  }
0x2d: {  	s0 =	rddreg [dreg:$0x9]  }
0x2e: {  	[tilespmem:s0], [sflag:$0x1] =	stream.indirect_vreg.gather [hbm4b:s4+s2], $0x80, v3, vm0, $0xb8;
	[tilespmem:$0x10080] =	vst v63  }
0x2f: {  	s10 =	rddreg [dreg:$0xa]  }
0x30: {  	[tilespmem:s10], [sflag:$0x1] =	stream.indirect_vreg.gather [hbm4b:s5+s2], $0x80, v3, vm0, $0xb8;
	[tilespmem:$0x10080] =	vst v63  }
0x31: {  	s0 =	rddreg [dreg:$0xb]  }
0x32: {  	[tilespmem:s0], [sflag:$0x1] =	stream.indirect_vreg.gather [hbm4b:s6+s2], $0x80, v3, vm0, $0xb8;
	[tilespmem:$0x10080] =	vst v63  }
0x33: {  	v3 =	vld [tilespmem:$0x10];
	_ =	sdelay $0x4  }
0x34: {  	v61 =	vshll.u32 v3, $0x3  }
0x35: {  	v3 =	vand.u32 $0x7, v3;
	v4 =	vand.u32 $0xFFFFFFC0, v61  }
0x36: {  	v3 =	vor.u32 v3, v4  }
0x37: {  	v4 =	vperm.xlane v3, v0;
	_ =	sdelay $0x1  }
0x38: {  	v4 =	vadd.s32 v1, v4;
	_ =	sdelay $0x3  }
0x39: {  	s0 =	rddreg [dreg:$0xc]  }
0x3a: {  	[tilespmem:s0], [sflag:$0x1] =	stream.indirect_vreg.gather [hbm4b:s3+s2], $0x80, v4, vm0, $0xb8;
	[tilespmem:$0x10080] =	vst v63  }
0x3b: {  	s10 =	rddreg [dreg:$0xd];
	v3 =	vperm.xlane v3, v2  }
0x3c: {  	[tilespmem:s10], [sflag:$0x1] =	stream.indirect_vreg.gather [hbm4b:s4+s2], $0x80, v4, vm0, $0xb8;
	[tilespmem:$0x10080] =	vst v63  }
0x3d: {  	v3 =	vadd.s32 v1, v3;
	s0 =	rddreg [dreg:$0xe]  }
0x3e: {  	[tilespmem:s0], [sflag:$0x1] =	stream.indirect_vreg.gather [hbm4b:s5+s2], $0x80, v4, vm0, $0xb8;
	[tilespmem:$0x10080] =	vst v63  }
0x3f: {  	s10 =	simm.s32 $0x5880  }
0x40: {  	[tilespmem:s10], [sflag:$0x1] =	stream.indirect_vreg.gather [hbm4b:s6+s2], $0x80, v4, vm0, $0xb8;
	[tilespmem:$0x10080] =	vst v63  }
0x41: {  	_ = 	snop  }
0x42: {  	[tilespmem:s11], [sflag:$0x1] =	stream.indirect_vreg.gather [hbm4b:s3+s2], $0x80, v3, vm0, $0xb8;
	[tilespmem:$0x10080] =	vst v63  }
0x43: {  	_ = 	snop  }
0x44: {  	[tilespmem:s12], [sflag:$0x1] =	stream.indirect_vreg.gather [hbm4b:s4+s2], $0x80, v3, vm0, $0xb8;
	[tilespmem:$0x10080] =	vst v63  }
0x45: {  	_ = 	snop  }
0x46: {  	[tilespmem:s13], [sflag:$0x1] =	stream.indirect_vreg.gather [hbm4b:s5+s2], $0x80, v3, vm0, $0xb8;
	[tilespmem:$0x10080] =	vst v63  }
0x47: {  	_ = 	snop  }
0x48: {  	[tilespmem:s14], [sflag:$0x1] =	stream.indirect_vreg.gather [hbm4b:s6+s2], $0x80, v3, vm0, $0xb8;
	[tilespmem:$0x10080] =	vst v63  }
0x49: {  	v3 =	vld [tilespmem:$0x20];
	_ =	sdelay $0x4  }
0x4a: {  	v62 =	vshll.u32 v3, $0x3  }
0x4b: {  	v3 =	vand.u32 $0x7, v3;
	v4 =	vand.u32 $0xFFFFFFC0, v62  }
0x4c: {  	v3 =	vor.u32 v3, v4  }
0x4d: {  	v4 =	vperm.xlane v3, v0;
	_ =	sdelay $0x1  }
0x4e: {  	v4 =	vadd.s32 v1, v4;
	_ =	sdelay $0x4  }
0x4f: {  	[tilespmem:s15], [sflag:$0x1] =	stream.indirect_vreg.gather [hbm4b:s3+s2], $0x80, v4, vm0, $0xb8;
	[tilespmem:$0x10080] =	vst v63  }
0x50: {  	v3 =	vperm.xlane v3, v2  }
0x51: {  	[tilespmem:s16], [sflag:$0x1] =	stream.indirect_vreg.gather [hbm4b:s4+s2], $0x80, v4, vm0, $0xb8;
	[tilespmem:$0x10080] =	vst v63  }
0x52: {  	v3 =	vadd.s32 v1, v3  }
0x53: {  	[tilespmem:s17], [sflag:$0x1] =	stream.indirect_vreg.gather [hbm4b:s5+s2], $0x80, v4, vm0, $0xb8;
	[tilespmem:$0x10080] =	vst v63  }
0x54: {  	_ = 	snop  }
0x55: {  	[tilespmem:s18], [sflag:$0x1] =	stream.indirect_vreg.gather [hbm4b:s6+s2], $0x80, v4, vm0, $0xb8;
	[tilespmem:$0x10080] =	vst v63  }
0x56: {  	_ = 	snop  }
0x57: {  	[tilespmem:s19], [sflag:$0x1] =	stream.indirect_vreg.gather [hbm4b:s3+s2], $0x80, v3, vm0, $0xb8;
	[tilespmem:$0x10080] =	vst v63  }
0x58: {  	_ = 	snop  }
0x59: {  	[tilespmem:s20], [sflag:$0x1] =	stream.indirect_vreg.gather [hbm4b:s4+s2], $0x80, v3, vm0, $0xb8;
	[tilespmem:$0x10080] =	vst v63  }
0x5a: {  	_ = 	snop  }
0x5b: {  	[tilespmem:s21], [sflag:$0x1] =	stream.indirect_vreg.gather [hbm4b:s5+s2], $0x80, v3, vm0, $0xb8;
	[tilespmem:$0x10080] =	vst v63  }
0x5c: {  	_ = 	snop  }
0x5d: {  	[tilespmem:s22], [sflag:$0x1] =	stream.indirect_vreg.gather [hbm4b:s6+s2], $0x80, v3, vm0, $0xb8;
	[tilespmem:$0x10080] =	vst v63  }
0x5e: {  	v3 =	vld [tilespmem:$0x30];
	_ =	sdelay $0x4  }
0x5f: {  	v63 =	vshll.u32 v3, $0x3  }
0x60: {  	v3 =	vand.u32 $0x7, v3;
	v4 =	vand.u32 $0xFFFFFFC0, v63  }
0x61: {  	v3 =	vor.u32 v3, v4  }
0x62: {  	v4 =	vperm.xlane v3, v0;
	_ =	sdelay $0x1  }
0x63: {  	v4 =	vadd.s32 v1, v4;
	_ =	sdelay $0x4  }
0x64: {  	[tilespmem:s23], [sflag:$0x1] =	stream.indirect_vreg.gather [hbm4b:s3+s2], $0x80, v4, vm0, $0xb8;
	[tilespmem:$0x10080] =	vst v63  }
0x65: {  	v3 =	vperm.xlane v3, v2  }
0x66: {  	[tilespmem:s24], [sflag:$0x1] =	stream.indirect_vreg.gather [hbm4b:s4+s2], $0x80, v4, vm0, $0xb8;
	[tilespmem:$0x10080] =	vst v63  }
0x67: {  	v3 =	vadd.s32 v1, v3  }
0x68: {  	[tilespmem:s25], [sflag:$0x1] =	stream.indirect_vreg.gather [hbm4b:s5+s2], $0x80, v4, vm0, $0xb8;
	[tilespmem:$0x10080] =	vst v63  }
0x69: {  	_ = 	snop  }
0x6a: {  	[tilespmem:s26], [sflag:$0x1] =	stream.indirect_vreg.gather [hbm4b:s6+s2], $0x80, v4, vm0, $0xb8;
	[tilespmem:$0x10080] =	vst v63  }
0x6b: {  	_ = 	snop  }
0x6c: {  	[tilespmem:s28], [sflag:$0x1] =	stream.indirect_vreg.gather [hbm4b:s3+s2], $0x80, v3, vm0, $0xb8;
	[tilespmem:$0x10080] =	vst v63  }
0x6d: {  	_ = 	snop  }
0x6e: {  	[tilespmem:s29], [sflag:$0x1] =	stream.indirect_vreg.gather [hbm4b:s4+s2], $0x80, v3, vm0, $0xb8;
	[tilespmem:$0x10080] =	vst v63  }
0x6f: {  	_ = 	snop  }
0x70: {  	[tilespmem:s30], [sflag:$0x1] =	stream.indirect_vreg.gather [hbm4b:s5+s2], $0x80, v3, vm0, $0xb8;
	[tilespmem:$0x10080] =	vst v63  }
0x71: {  	_ = 	snop  }
0x72: {  	[tilespmem:s31], [sflag:$0x1] =	stream.indirect_vreg.gather [hbm4b:s6+s2], $0x80, v3, vm0, $0xb8;
	[tilespmem:$0x10080] =	vst v63  }
0x73: {  	_ =	swait.ge [sflag:s1], $0x10000  }
0x74: {  	p0 =	sne.s32 s7, $0x1;
	[sflag:s1] =	ssyncset.done $0x0  }
.Ltmp0:
0x75: {  	s10 =	rddreg [dreg:$0x4];
	[sflag:s1] =	ssyncadd.s32 $0xFFFF0000;
	(pc) =	sbr.rel @p0 .LBB2_1-.Ltmp0, $4  }
0x76: {  	[hbm4b:s10+s2] =	stream.linear.scatter [tilespmem:s9], [sflag:$0x2], $0x10000, $0x38;
	[tilespmem:$0x10080] =	vst v63  }
0x77: {  	_ =	swait.ge [sflag:s8], $0x10000  }
0x78: {  	[sflag:s8] =	ssyncset.done $0x0  }
0x79: {  	s7 =	sadd.s32 $0xFFFFFFFF, s7;
	[sflag:s8] =	ssyncadd.s32 $0xFFFF0000  }
0x7a: {  	_ =	sfence.sel $0x180000  }
0x7b: {  	[bflag:$0x0] =	sbarrier.arrive $0xFFFF  }
0x7c: {  	_ =	strace $0x9000004A  }
0x7d: {  	s0 =	stileid.u32;
	[bflag:$0x2] =	sbarrier.arrive $0xFFFF  }
0x7e: {  	p0 =	sne.s32 s0, $0x0;
	s0 =	rddreg [dreg:$0x2]  }
0x7f: {  	s0 =	sadd.s32 @!p0 $0x100000, s0  }
0x80: {  	[sflag:s0] =	ssyncadd.tile.s32 @!p0 $0x1;
	_ =	shalt  }
.Lfunc_end2:
_tile_overlayer_lowered:
.L_overlay_start_2:
0x81: {  	(tag) =	ssettag $0x2  }
0x82: {  	s0 =	rddreg [dreg:$0x0];
	s2 =	stileid.u32  }
0x83: {  	s1 =	rddreg [dreg:$0x1];
	p0 =	sne.s32 s2, $0x0  }
0x84: {  	s3 =	rddreg [dreg:$0x2];
	[bflag:$0x3] =	sbarrier.arrive $0xFFFF;
	s2 =	simm.s32 @!p0 $0x1C02  }
0x85: {  	[timem:s3], [sflag:s2] =	dma.local @!p0 [hbm:s0], s1  }
0x86: {  	s0 =	simm.s32 @!p0 $0x2  }
0x87: {  	_ =	swait.ge @!p0 [sflag:s0], s1  }
0x88: {  	s1 =	ssub.s32 @!p0 $0x0, s1;
	[sflag:s0] =	ssyncset.done @!p0 $0x0  }
0x89: {  	[sflag:s0] =	ssyncadd.s32 @!p0 s1  }
0x8a: {  	[bflag:$0x3] =	sbarrier.arrive $0xFFFF  }
0x8b: {  	_ =	shalt  }

</sc_bundles>
